<compile_context>
chip_gen: v7x
topology: tpu7x:2x2x1
jax: 0.10.2.dev20260603
libtpu: 0.0.44.dev20260713+nightly
codegen_flags: <defaults>
</compile_context>

<pallas_src>
import functools

import jax
import jax.numpy as jnp
from jax import lax
from jax.experimental import pallas as pl
from jax.experimental.pallas import tpu as pltpu
from jax.experimental.pallas import tpu_sc as plsc


def kernel(num_M, num_VN, IVF, VN_index, wout):
    M, K, V = IVF.shape
    scale = 1.0 / M
    idx = VN_index.astype(jnp.int32)
    i0s = [idx[0, v] for v in range(V)]
    i1s = [idx[1, v] for v in range(V)]
    mesh = plsc.ScalarSubcoreMesh(axis_name="c", num_cores=1)

    @functools.partial(
        pl.kernel,
        mesh=mesh,
        compiler_params=pltpu.CompilerParams(
            needs_layout_passes=False,
            disable_bounds_checks=True,
            disable_semaphore_checks=True,
            skip_device_barrier=True,
        ),
        out_type=jax.ShapeDtypeStruct((M, V), jnp.float32),
        scratch_types=[
            pltpu.SMEM((M, K, V), jnp.float32),
            pltpu.SMEM((M, V), jnp.float32),
            pltpu.SMEM((M, V), jnp.float32),
            pltpu.SemaphoreType.DMA,
        ],
    )
    def scs_kernel(ivf_hbm, wout_hbm, out_hbm, ivf_s, wout_s, out_s, sem):
        c1 = pltpu.make_async_copy(ivf_hbm, ivf_s, sem)
        c2 = pltpu.make_async_copy(wout_hbm, wout_s, sem)
        c1.start()
        c2.start()
        c1.wait()
        c2.wait()
        for v in range(V):
            i0 = i0s[v]
            i1 = i1s[v]
            for m in range(M):
                a = ivf_s[m, i0, v]
                b = ivf_s[m, i1, v]
                out_s[m, v] = scale * a * b * wout_s[m, v]
        pltpu.sync_copy(out_s, out_hbm)

    return scs_kernel(IVF.astype(jnp.float32), wout.astype(jnp.float32))

# --- scband reference (transcript-rebuilt; emitter-appended) ---
"""Pipeline reference for scband-mpa2-37056977830475 (READ-ONLY COPY).

The authoritative reference and input builder live on the scoring server;
editing this copy changes nothing except your own understanding.
"""

import jax, jax.numpy as jnp
import numpy as np


def setup_inputs(seed: int = 0) -> dict:
    key = jax.random.key(seed)
    k1, k2 = jax.random.split(key, 2)
    num_M = 4
    num_VN = 6
    IVF = jax.random.uniform(k1, (num_M, num_M, num_VN), dtype=jnp.float32)
    VN_index = jax.random.randint(k2, (2, num_VN), 0, num_M, dtype=jnp.int64)
    wout = jnp.ones((num_M, num_VN), dtype=jnp.float32)
    return {"num_M": num_M, "num_VN": num_VN, "IVF": IVF, "VN_index": VN_index, "wout": wout}


def reference(num_M, num_VN, IVF, VN_index, wout):
    # Q[m, VN] = (1/num_M) * IVF[m, VN_index[0, VN], VN] * IVF[m, VN_index[1, VN], VN]
    vn_range = jnp.arange(IVF.shape[2]) % num_VN
    idx0 = VN_index[0]  # [num_VN]
    idx1 = VN_index[1]  # [num_VN]
    a = IVF[:, idx0, vn_range]  # gather -> [num_M, num_VN]
    b = IVF[:, idx1, vn_range]  # gather -> [num_M, num_VN]
    Q = (1.0 / num_M) * a * b
    Q = Q * wout
    return Q

if __name__ == "__main__":
    import jax
    _d = setup_inputs()
    print(jax.jit(kernel)(*tuple(_d.values())))

</pallas_src>

<mosaic_0001>
#map = affine_map<(d0) -> (0, 0, 0)>
#map1 = affine_map<(d0) -> (0, 0)>
#map2 = affine_map<(d0) -> (0)>
module attributes {stable_mosaic.version = 14 : i64} {
  func.func @_rewritten_body(%arg0: i32, %arg1: memref<4x4x6xf32, #tpu.memory_space<hbm>>, %arg2: memref<4x6xf32, #tpu.memory_space<hbm>>, %arg3: memref<1xi32, #tpu.memory_space<hbm>>, %arg4: memref<1xi32, #tpu.memory_space<hbm>>, %arg5: memref<1xi32, #tpu.memory_space<hbm>>, %arg6: memref<1xi32, #tpu.memory_space<hbm>>, %arg7: memref<1xi32, #tpu.memory_space<hbm>>, %arg8: memref<1xi32, #tpu.memory_space<hbm>>, %arg9: memref<1xi32, #tpu.memory_space<hbm>>, %arg10: memref<1xi32, #tpu.memory_space<hbm>>, %arg11: memref<1xi32, #tpu.memory_space<hbm>>, %arg12: memref<1xi32, #tpu.memory_space<hbm>>, %arg13: memref<1xi32, #tpu.memory_space<hbm>>, %arg14: memref<1xi32, #tpu.memory_space<hbm>>, %arg15: memref<4x6xf32, #tpu.memory_space<hbm>>, %arg16: memref<4x4x6xf32, #tpu.memory_space<smem>>, %arg17: memref<4x6xf32, #tpu.memory_space<smem>>, %arg18: memref<4x6xf32, #tpu.memory_space<smem>>, %arg19: memref<!tpu.dma_semaphore, #tpu.memory_space<semaphore_mem>>) attributes {dimension_semantics = [#tpu.dimension_semantics<core_parallel>], iteration_bounds = array<i64: 1>, scalar_prefetch = 0 : i64, scratch_operands = 4 : i64, tpu.core_type = #tpu.core_type<sc_scalar_subcore>, window_params = [{transform_indices = #map}, {transform_indices = #map1}, {transform_indices = #map2}, {transform_indices = #map2}, {transform_indices = #map2}, {transform_indices = #map2}, {transform_indices = #map2}, {transform_indices = #map2}, {transform_indices = #map2}, {transform_indices = #map2}, {transform_indices = #map2}, {transform_indices = #map2}, {transform_indices = #map2}, {transform_indices = #map2}, {transform_indices = #map1}]} {
    %empty_ref3A = memref.alloca() : memref<1xi32, #tpu.memory_space<smem>>
    %empty_ref3A_0 = memref.alloca() : memref<1xi32, #tpu.memory_space<smem>>
    %empty_ref3A_1 = memref.alloca() : memref<1xi32, #tpu.memory_space<smem>>
    %empty_ref3A_2 = memref.alloca() : memref<1xi32, #tpu.memory_space<smem>>
    %empty_ref3A_3 = memref.alloca() : memref<1xi32, #tpu.memory_space<smem>>
    %empty_ref3A_4 = memref.alloca() : memref<1xi32, #tpu.memory_space<smem>>
    %empty_ref3A_5 = memref.alloca() : memref<1xi32, #tpu.memory_space<smem>>
    %empty_ref3A_6 = memref.alloca() : memref<1xi32, #tpu.memory_space<smem>>
    %empty_ref3A_7 = memref.alloca() : memref<1xi32, #tpu.memory_space<smem>>
    %empty_ref3A_8 = memref.alloca() : memref<1xi32, #tpu.memory_space<smem>>
    %empty_ref3A_9 = memref.alloca() : memref<1xi32, #tpu.memory_space<smem>>
    %empty_ref3A_10 = memref.alloca() : memref<1xi32, #tpu.memory_space<smem>>
    "tpu.region"() ({
      %run_scoped3A = tpu.sem_alloc : memref<!tpu.dma_semaphore, #tpu.memory_space<semaphore_mem>>
      tpu.enqueue_dma source(%arg3 : memref<1xi32, #tpu.memory_space<hbm>>) target(%empty_ref3A : memref<1xi32, #tpu.memory_space<smem>>) target_semaphore(%run_scoped3A : memref<!tpu.dma_semaphore, #tpu.memory_space<semaphore_mem>>)
      tpu.enqueue_dma source(%arg4 : memref<1xi32, #tpu.memory_space<hbm>>) target(%empty_ref3A_0 : memref<1xi32, #tpu.memory_space<smem>>) target_semaphore(%run_scoped3A : memref<!tpu.dma_semaphore, #tpu.memory_space<semaphore_mem>>)
      tpu.enqueue_dma source(%arg5 : memref<1xi32, #tpu.memory_space<hbm>>) target(%empty_ref3A_1 : memref<1xi32, #tpu.memory_space<smem>>) target_semaphore(%run_scoped3A : memref<!tpu.dma_semaphore, #tpu.memory_space<semaphore_mem>>)
      tpu.enqueue_dma source(%arg6 : memref<1xi32, #tpu.memory_space<hbm>>) target(%empty_ref3A_2 : memref<1xi32, #tpu.memory_space<smem>>) target_semaphore(%run_scoped3A : memref<!tpu.dma_semaphore, #tpu.memory_space<semaphore_mem>>)
      tpu.enqueue_dma source(%arg7 : memref<1xi32, #tpu.memory_space<hbm>>) target(%empty_ref3A_3 : memref<1xi32, #tpu.memory_space<smem>>) target_semaphore(%run_scoped3A : memref<!tpu.dma_semaphore, #tpu.memory_space<semaphore_mem>>)
      tpu.enqueue_dma source(%arg8 : memref<1xi32, #tpu.memory_space<hbm>>) target(%empty_ref3A_4 : memref<1xi32, #tpu.memory_space<smem>>) target_semaphore(%run_scoped3A : memref<!tpu.dma_semaphore, #tpu.memory_space<semaphore_mem>>)
      tpu.enqueue_dma source(%arg9 : memref<1xi32, #tpu.memory_space<hbm>>) target(%empty_ref3A_5 : memref<1xi32, #tpu.memory_space<smem>>) target_semaphore(%run_scoped3A : memref<!tpu.dma_semaphore, #tpu.memory_space<semaphore_mem>>)
      tpu.enqueue_dma source(%arg10 : memref<1xi32, #tpu.memory_space<hbm>>) target(%empty_ref3A_6 : memref<1xi32, #tpu.memory_space<smem>>) target_semaphore(%run_scoped3A : memref<!tpu.dma_semaphore, #tpu.memory_space<semaphore_mem>>)
      tpu.enqueue_dma source(%arg11 : memref<1xi32, #tpu.memory_space<hbm>>) target(%empty_ref3A_7 : memref<1xi32, #tpu.memory_space<smem>>) target_semaphore(%run_scoped3A : memref<!tpu.dma_semaphore, #tpu.memory_space<semaphore_mem>>)
      tpu.enqueue_dma source(%arg12 : memref<1xi32, #tpu.memory_space<hbm>>) target(%empty_ref3A_8 : memref<1xi32, #tpu.memory_space<smem>>) target_semaphore(%run_scoped3A : memref<!tpu.dma_semaphore, #tpu.memory_space<semaphore_mem>>)
      tpu.enqueue_dma source(%arg13 : memref<1xi32, #tpu.memory_space<hbm>>) target(%empty_ref3A_9 : memref<1xi32, #tpu.memory_space<smem>>) target_semaphore(%run_scoped3A : memref<!tpu.dma_semaphore, #tpu.memory_space<semaphore_mem>>)
      tpu.enqueue_dma source(%arg14 : memref<1xi32, #tpu.memory_space<hbm>>) target(%empty_ref3A_10 : memref<1xi32, #tpu.memory_space<smem>>) target_semaphore(%run_scoped3A : memref<!tpu.dma_semaphore, #tpu.memory_space<semaphore_mem>>)
      tpu.wait_dma2 semaphore(%run_scoped3A : memref<!tpu.dma_semaphore, #tpu.memory_space<semaphore_mem>>) src(%arg3 : memref<1xi32, #tpu.memory_space<hbm>>) dst(%empty_ref3A : memref<1xi32, #tpu.memory_space<smem>>)
      tpu.wait_dma2 semaphore(%run_scoped3A : memref<!tpu.dma_semaphore, #tpu.memory_space<semaphore_mem>>) src(%arg4 : memref<1xi32, #tpu.memory_space<hbm>>) dst(%empty_ref3A_0 : memref<1xi32, #tpu.memory_space<smem>>)
      tpu.wait_dma2 semaphore(%run_scoped3A : memref<!tpu.dma_semaphore, #tpu.memory_space<semaphore_mem>>) src(%arg5 : memref<1xi32, #tpu.memory_space<hbm>>) dst(%empty_ref3A_1 : memref<1xi32, #tpu.memory_space<smem>>)
      tpu.wait_dma2 semaphore(%run_scoped3A : memref<!tpu.dma_semaphore, #tpu.memory_space<semaphore_mem>>) src(%arg6 : memref<1xi32, #tpu.memory_space<hbm>>) dst(%empty_ref3A_2 : memref<1xi32, #tpu.memory_space<smem>>)
      tpu.wait_dma2 semaphore(%run_scoped3A : memref<!tpu.dma_semaphore, #tpu.memory_space<semaphore_mem>>) src(%arg7 : memref<1xi32, #tpu.memory_space<hbm>>) dst(%empty_ref3A_3 : memref<1xi32, #tpu.memory_space<smem>>)
      tpu.wait_dma2 semaphore(%run_scoped3A : memref<!tpu.dma_semaphore, #tpu.memory_space<semaphore_mem>>) src(%arg8 : memref<1xi32, #tpu.memory_space<hbm>>) dst(%empty_ref3A_4 : memref<1xi32, #tpu.memory_space<smem>>)
      tpu.wait_dma2 semaphore(%run_scoped3A : memref<!tpu.dma_semaphore, #tpu.memory_space<semaphore_mem>>) src(%arg9 : memref<1xi32, #tpu.memory_space<hbm>>) dst(%empty_ref3A_5 : memref<1xi32, #tpu.memory_space<smem>>)
      tpu.wait_dma2 semaphore(%run_scoped3A : memref<!tpu.dma_semaphore, #tpu.memory_space<semaphore_mem>>) src(%arg10 : memref<1xi32, #tpu.memory_space<hbm>>) dst(%empty_ref3A_6 : memref<1xi32, #tpu.memory_space<smem>>)
      tpu.wait_dma2 semaphore(%run_scoped3A : memref<!tpu.dma_semaphore, #tpu.memory_space<semaphore_mem>>) src(%arg11 : memref<1xi32, #tpu.memory_space<hbm>>) dst(%empty_ref3A_7 : memref<1xi32, #tpu.memory_space<smem>>)
      tpu.wait_dma2 semaphore(%run_scoped3A : memref<!tpu.dma_semaphore, #tpu.memory_space<semaphore_mem>>) src(%arg12 : memref<1xi32, #tpu.memory_space<hbm>>) dst(%empty_ref3A_8 : memref<1xi32, #tpu.memory_space<smem>>)
      tpu.wait_dma2 semaphore(%run_scoped3A : memref<!tpu.dma_semaphore, #tpu.memory_space<semaphore_mem>>) src(%arg13 : memref<1xi32, #tpu.memory_space<hbm>>) dst(%empty_ref3A_9 : memref<1xi32, #tpu.memory_space<smem>>)
      tpu.wait_dma2 semaphore(%run_scoped3A : memref<!tpu.dma_semaphore, #tpu.memory_space<semaphore_mem>>) src(%arg14 : memref<1xi32, #tpu.memory_space<hbm>>) dst(%empty_ref3A_10 : memref<1xi32, #tpu.memory_space<smem>>)
      tpu.yield
    }) : () -> ()
    %get3A = arith.constant 0 : i32
    %get3A_11 = arith.index_cast %get3A : i32 to index
    %get3A_12 = memref.load %empty_ref3A[%get3A_11] : memref<1xi32, #tpu.memory_space<smem>>
    %get3A_13 = arith.constant 0 : i32
    %get3A_14 = arith.index_cast %get3A_13 : i32 to index
    %get3A_15 = memref.load %empty_ref3A_0[%get3A_14] : memref<1xi32, #tpu.memory_space<smem>>
    %get3A_16 = arith.constant 0 : i32
    %get3A_17 = arith.index_cast %get3A_16 : i32 to index
    %get3A_18 = memref.load %empty_ref3A_1[%get3A_17] : memref<1xi32, #tpu.memory_space<smem>>
    %get3A_19 = arith.constant 0 : i32
    %get3A_20 = arith.index_cast %get3A_19 : i32 to index
    %get3A_21 = memref.load %empty_ref3A_2[%get3A_20] : memref<1xi32, #tpu.memory_space<smem>>
    %get3A_22 = arith.constant 0 : i32
    %get3A_23 = arith.index_cast %get3A_22 : i32 to index
    %get3A_24 = memref.load %empty_ref3A_3[%get3A_23] : memref<1xi32, #tpu.memory_space<smem>>
    %get3A_25 = arith.constant 0 : i32
    %get3A_26 = arith.index_cast %get3A_25 : i32 to index
    %get3A_27 = memref.load %empty_ref3A_4[%get3A_26] : memref<1xi32, #tpu.memory_space<smem>>
    %get3A_28 = arith.constant 0 : i32
    %get3A_29 = arith.index_cast %get3A_28 : i32 to index
    %get3A_30 = memref.load %empty_ref3A_5[%get3A_29] : memref<1xi32, #tpu.memory_space<smem>>
    %get3A_31 = arith.constant 0 : i32
    %get3A_32 = arith.index_cast %get3A_31 : i32 to index
    %get3A_33 = memref.load %empty_ref3A_6[%get3A_32] : memref<1xi32, #tpu.memory_space<smem>>
    %get3A_34 = arith.constant 0 : i32
    %get3A_35 = arith.index_cast %get3A_34 : i32 to index
    %get3A_36 = memref.load %empty_ref3A_7[%get3A_35] : memref<1xi32, #tpu.memory_space<smem>>
    %get3A_37 = arith.constant 0 : i32
    %get3A_38 = arith.index_cast %get3A_37 : i32 to index
    %get3A_39 = memref.load %empty_ref3A_8[%get3A_38] : memref<1xi32, #tpu.memory_space<smem>>
    %get3A_40 = arith.constant 0 : i32
    %get3A_41 = arith.index_cast %get3A_40 : i32 to index
    %get3A_42 = memref.load %empty_ref3A_9[%get3A_41] : memref<1xi32, #tpu.memory_space<smem>>
    %get3A_43 = arith.constant 0 : i32
    %get3A_44 = arith.index_cast %get3A_43 : i32 to index
    %get3A_45 = memref.load %empty_ref3A_10[%get3A_44] : memref<1xi32, #tpu.memory_space<smem>>
    tpu.enqueue_dma source(%arg1 : memref<4x4x6xf32, #tpu.memory_space<hbm>>) target(%arg16 : memref<4x4x6xf32, #tpu.memory_space<smem>>) target_semaphore(%arg19 : memref<!tpu.dma_semaphore, #tpu.memory_space<semaphore_mem>>)
    tpu.enqueue_dma source(%arg2 : memref<4x6xf32, #tpu.memory_space<hbm>>) target(%arg17 : memref<4x6xf32, #tpu.memory_space<smem>>) target_semaphore(%arg19 : memref<!tpu.dma_semaphore, #tpu.memory_space<semaphore_mem>>)
    tpu.wait_dma2 semaphore(%arg19 : memref<!tpu.dma_semaphore, #tpu.memory_space<semaphore_mem>>) src(%arg1 : memref<4x4x6xf32, #tpu.memory_space<hbm>>) dst(%arg16 : memref<4x4x6xf32, #tpu.memory_space<smem>>)
    tpu.wait_dma2 semaphore(%arg19 : memref<!tpu.dma_semaphore, #tpu.memory_space<semaphore_mem>>) src(%arg2 : memref<4x6xf32, #tpu.memory_space<hbm>>) dst(%arg17 : memref<4x6xf32, #tpu.memory_space<smem>>)
    %get3A_46 = arith.constant 0 : i32
    %get3A_47 = arith.constant 0 : i32
    %get3A_48 = arith.index_cast %get3A_46 : i32 to index
    %get3A_49 = arith.index_cast %get3A_12 : i32 to index
    %get3A_50 = arith.index_cast %get3A_47 : i32 to index
    %get3A_51 = memref.load %arg16[%get3A_48, %get3A_49, %get3A_50] : memref<4x4x6xf32, #tpu.memory_space<smem>>
    %get3A_52 = arith.constant 0 : i32
    %get3A_53 = arith.constant 0 : i32
    %get3A_54 = arith.index_cast %get3A_52 : i32 to index
    %get3A_55 = arith.index_cast %get3A_15 : i32 to index
    %get3A_56 = arith.index_cast %get3A_53 : i32 to index
    %get3A_57 = memref.load %arg16[%get3A_54, %get3A_55, %get3A_56] : memref<4x4x6xf32, #tpu.memory_space<smem>>
    %mul3A = arith.constant 2.500000e-01 : f32
    %mul3A_58 = arith.mulf %mul3A, %get3A_51 : f32
    %mul3A_59 = arith.mulf %mul3A_58, %get3A_57 : f32
    %get3A_60 = arith.constant 0 : i32
    %get3A_61 = arith.constant 0 : i32
    %get3A_62 = arith.index_cast %get3A_60 : i32 to index
    %get3A_63 = arith.index_cast %get3A_61 : i32 to index
    %get3A_64 = memref.load %arg17[%get3A_62, %get3A_63] : memref<4x6xf32, #tpu.memory_space<smem>>
    %mul3A_65 = arith.mulf %mul3A_59, %get3A_64 : f32
    %swap3A = arith.constant 0 : i32
    %swap3A_66 = arith.constant 0 : i32
    %swap3A_67 = arith.index_cast %swap3A : i32 to index
    %swap3A_68 = arith.index_cast %swap3A_66 : i32 to index
    %swap3A_69 = memref.load %arg18[%swap3A_67, %swap3A_68] : memref<4x6xf32, #tpu.memory_space<smem>>
    memref.store %mul3A_65, %arg18[%swap3A_67, %swap3A_68] : memref<4x6xf32, #tpu.memory_space<smem>>
    %get3A_70 = arith.constant 1 : i32
    %get3A_71 = arith.constant 0 : i32
    %get3A_72 = arith.index_cast %get3A_70 : i32 to index
    %get3A_73 = arith.index_cast %get3A_12 : i32 to index
    %get3A_74 = arith.index_cast %get3A_71 : i32 to index
    %get3A_75 = memref.load %arg16[%get3A_72, %get3A_73, %get3A_74] : memref<4x4x6xf32, #tpu.memory_space<smem>>
    %get3A_76 = arith.constant 1 : i32
    %get3A_77 = arith.constant 0 : i32
    %get3A_78 = arith.index_cast %get3A_76 : i32 to index
    %get3A_79 = arith.index_cast %get3A_15 : i32 to index
    %get3A_80 = arith.index_cast %get3A_77 : i32 to index
    %get3A_81 = memref.load %arg16[%get3A_78, %get3A_79, %get3A_80] : memref<4x4x6xf32, #tpu.memory_space<smem>>
    %mul3A_82 = arith.constant 2.500000e-01 : f32
    %mul3A_83 = arith.mulf %mul3A_82, %get3A_75 : f32
    %mul3A_84 = arith.mulf %mul3A_83, %get3A_81 : f32
    %get3A_85 = arith.constant 1 : i32
    %get3A_86 = arith.constant 0 : i32
    %get3A_87 = arith.index_cast %get3A_85 : i32 to index
    %get3A_88 = arith.index_cast %get3A_86 : i32 to index
    %get3A_89 = memref.load %arg17[%get3A_87, %get3A_88] : memref<4x6xf32, #tpu.memory_space<smem>>
    %mul3A_90 = arith.mulf %mul3A_84, %get3A_89 : f32
    %swap3A_91 = arith.constant 1 : i32
    %swap3A_92 = arith.constant 0 : i32
    %swap3A_93 = arith.index_cast %swap3A_91 : i32 to index
    %swap3A_94 = arith.index_cast %swap3A_92 : i32 to index
    %swap3A_95 = memref.load %arg18[%swap3A_93, %swap3A_94] : memref<4x6xf32, #tpu.memory_space<smem>>
    memref.store %mul3A_90, %arg18[%swap3A_93, %swap3A_94] : memref<4x6xf32, #tpu.memory_space<smem>>
    %get3A_96 = arith.constant 2 : i32
    %get3A_97 = arith.constant 0 : i32
    %get3A_98 = arith.index_cast %get3A_96 : i32 to index
    %get3A_99 = arith.index_cast %get3A_12 : i32 to index
    %get3A_100 = arith.index_cast %get3A_97 : i32 to index
    %get3A_101 = memref.load %arg16[%get3A_98, %get3A_99, %get3A_100] : memref<4x4x6xf32, #tpu.memory_space<smem>>
    %get3A_102 = arith.constant 2 : i32
    %get3A_103 = arith.constant 0 : i32
    %get3A_104 = arith.index_cast %get3A_102 : i32 to index
    %get3A_105 = arith.index_cast %get3A_15 : i32 to index
    %get3A_106 = arith.index_cast %get3A_103 : i32 to index
    %get3A_107 = memref.load %arg16[%get3A_104, %get3A_105, %get3A_106] : memref<4x4x6xf32, #tpu.memory_space<smem>>
    %mul3A_108 = arith.constant 2.500000e-01 : f32
    %mul3A_109 = arith.mulf %mul3A_108, %get3A_101 : f32
    %mul3A_110 = arith.mulf %mul3A_109, %get3A_107 : f32
    %get3A_111 = arith.constant 2 : i32
    %get3A_112 = arith.constant 0 : i32
    %get3A_113 = arith.index_cast %get3A_111 : i32 to index
    %get3A_114 = arith.index_cast %get3A_112 : i32 to index
    %get3A_115 = memref.load %arg17[%get3A_113, %get3A_114] : memref<4x6xf32, #tpu.memory_space<smem>>
    %mul3A_116 = arith.mulf %mul3A_110, %get3A_115 : f32
    %swap3A_117 = arith.constant 2 : i32
    %swap3A_118 = arith.constant 0 : i32
    %swap3A_119 = arith.index_cast %swap3A_117 : i32 to index
    %swap3A_120 = arith.index_cast %swap3A_118 : i32 to index
    %swap3A_121 = memref.load %arg18[%swap3A_119, %swap3A_120] : memref<4x6xf32, #tpu.memory_space<smem>>
    memref.store %mul3A_116, %arg18[%swap3A_119, %swap3A_120] : memref<4x6xf32, #tpu.memory_space<smem>>
    %get3A_122 = arith.constant 3 : i32
    %get3A_123 = arith.constant 0 : i32
    %get3A_124 = arith.index_cast %get3A_122 : i32 to index
    %get3A_125 = arith.index_cast %get3A_12 : i32 to index
    %get3A_126 = arith.index_cast %get3A_123 : i32 to index
    %get3A_127 = memref.load %arg16[%get3A_124, %get3A_125, %get3A_126] : memref<4x4x6xf32, #tpu.memory_space<smem>>
    %get3A_128 = arith.constant 3 : i32
    %get3A_129 = arith.constant 0 : i32
    %get3A_130 = arith.index_cast %get3A_128 : i32 to index
    %get3A_131 = arith.index_cast %get3A_15 : i32 to index
    %get3A_132 = arith.index_cast %get3A_129 : i32 to index
    %get3A_133 = memref.load %arg16[%get3A_130, %get3A_131, %get3A_132] : memref<4x4x6xf32, #tpu.memory_space<smem>>
    %mul3A_134 = arith.constant 2.500000e-01 : f32
    %mul3A_135 = arith.mulf %mul3A_134, %get3A_127 : f32
    %mul3A_136 = arith.mulf %mul3A_135, %get3A_133 : f32
    %get3A_137 = arith.constant 3 : i32
    %get3A_138 = arith.constant 0 : i32
    %get3A_139 = arith.index_cast %get3A_137 : i32 to index
    %get3A_140 = arith.index_cast %get3A_138 : i32 to index
    %get3A_141 = memref.load %arg17[%get3A_139, %get3A_140] : memref<4x6xf32, #tpu.memory_space<smem>>
    %mul3A_142 = arith.mulf %mul3A_136, %get3A_141 : f32
    %swap3A_143 = arith.constant 3 : i32
    %swap3A_144 = arith.constant 0 : i32
    %swap3A_145 = arith.index_cast %swap3A_143 : i32 to index
    %swap3A_146 = arith.index_cast %swap3A_144 : i32 to index
    %swap3A_147 = memref.load %arg18[%swap3A_145, %swap3A_146] : memref<4x6xf32, #tpu.memory_space<smem>>
    memref.store %mul3A_142, %arg18[%swap3A_145, %swap3A_146] : memref<4x6xf32, #tpu.memory_space<smem>>
    %get3A_148 = arith.constant 0 : i32
    %get3A_149 = arith.constant 1 : i32
    %get3A_150 = arith.index_cast %get3A_148 : i32 to index
    %get3A_151 = arith.index_cast %get3A_18 : i32 to index
    %get3A_152 = arith.index_cast %get3A_149 : i32 to index
    %get3A_153 = memref.load %arg16[%get3A_150, %get3A_151, %get3A_152] : memref<4x4x6xf32, #tpu.memory_space<smem>>
    %get3A_154 = arith.constant 0 : i32
    %get3A_155 = arith.constant 1 : i32
    %get3A_156 = arith.index_cast %get3A_154 : i32 to index
    %get3A_157 = arith.index_cast %get3A_21 : i32 to index
    %get3A_158 = arith.index_cast %get3A_155 : i32 to index
    %get3A_159 = memref.load %arg16[%get3A_156, %get3A_157, %get3A_158] : memref<4x4x6xf32, #tpu.memory_space<smem>>
    %mul3A_160 = arith.constant 2.500000e-01 : f32
    %mul3A_161 = arith.mulf %mul3A_160, %get3A_153 : f32
    %mul3A_162 = arith.mulf %mul3A_161, %get3A_159 : f32
    %get3A_163 = arith.constant 0 : i32
    %get3A_164 = arith.constant 1 : i32
    %get3A_165 = arith.index_cast %get3A_163 : i32 to index
    %get3A_166 = arith.index_cast %get3A_164 : i32 to index
    %get3A_167 = memref.load %arg17[%get3A_165, %get3A_166] : memref<4x6xf32, #tpu.memory_space<smem>>
    %mul3A_168 = arith.mulf %mul3A_162, %get3A_167 : f32
    %swap3A_169 = arith.constant 0 : i32
    %swap3A_170 = arith.constant 1 : i32
    %swap3A_171 = arith.index_cast %swap3A_169 : i32 to index
    %swap3A_172 = arith.index_cast %swap3A_170 : i32 to index
    %swap3A_173 = memref.load %arg18[%swap3A_171, %swap3A_172] : memref<4x6xf32, #tpu.memory_space<smem>>
    memref.store %mul3A_168, %arg18[%swap3A_171, %swap3A_172] : memref<4x6xf32, #tpu.memory_space<smem>>
    %get3A_174 = arith.constant 1 : i32
    %get3A_175 = arith.constant 1 : i32
    %get3A_176 = arith.index_cast %get3A_174 : i32 to index
    %get3A_177 = arith.index_cast %get3A_18 : i32 to index
    %get3A_178 = arith.index_cast %get3A_175 : i32 to index
    %get3A_179 = memref.load %arg16[%get3A_176, %get3A_177, %get3A_178] : memref<4x4x6xf32, #tpu.memory_space<smem>>
    %get3A_180 = arith.constant 1 : i32
    %get3A_181 = arith.constant 1 : i32
    %get3A_182 = arith.index_cast %get3A_180 : i32 to index
    %get3A_183 = arith.index_cast %get3A_21 : i32 to index
    %get3A_184 = arith.index_cast %get3A_181 : i32 to index
    %get3A_185 = memref.load %arg16[%get3A_182, %get3A_183, %get3A_184] : memref<4x4x6xf32, #tpu.memory_space<smem>>
    %mul3A_186 = arith.constant 2.500000e-01 : f32
    %mul3A_187 = arith.mulf %mul3A_186, %get3A_179 : f32
    %mul3A_188 = arith.mulf %mul3A_187, %get3A_185 : f32
    %get3A_189 = arith.constant 1 : i32
    %get3A_190 = arith.constant 1 : i32
    %get3A_191 = arith.index_cast %get3A_189 : i32 to index
    %get3A_192 = arith.index_cast %get3A_190 : i32 to index
    %get3A_193 = memref.load %arg17[%get3A_191, %get3A_192] : memref<4x6xf32, #tpu.memory_space<smem>>
    %mul3A_194 = arith.mulf %mul3A_188, %get3A_193 : f32
    %swap3A_195 = arith.constant 1 : i32
    %swap3A_196 = arith.constant 1 : i32
    %swap3A_197 = arith.index_cast %swap3A_195 : i32 to index
    %swap3A_198 = arith.index_cast %swap3A_196 : i32 to index
    %swap3A_199 = memref.load %arg18[%swap3A_197, %swap3A_198] : memref<4x6xf32, #tpu.memory_space<smem>>
    memref.store %mul3A_194, %arg18[%swap3A_197, %swap3A_198] : memref<4x6xf32, #tpu.memory_space<smem>>
    %get3A_200 = arith.constant 2 : i32
    %get3A_201 = arith.constant 1 : i32
    %get3A_202 = arith.index_cast %get3A_200 : i32 to index
    %get3A_203 = arith.index_cast %get3A_18 : i32 to index
    %get3A_204 = arith.index_cast %get3A_201 : i32 to index
    %get3A_205 = memref.load %arg16[%get3A_202, %get3A_203, %get3A_204] : memref<4x4x6xf32, #tpu.memory_space<smem>>
    %get3A_206 = arith.constant 2 : i32
    %get3A_207 = arith.constant 1 : i32
    %get3A_208 = arith.index_cast %get3A_206 : i32 to index
    %get3A_209 = arith.index_cast %get3A_21 : i32 to index
    %get3A_210 = arith.index_cast %get3A_207 : i32 to index
    %get3A_211 = memref.load %arg16[%get3A_208, %get3A_209, %get3A_210] : memref<4x4x6xf32, #tpu.memory_space<smem>>
    %mul3A_212 = arith.constant 2.500000e-01 : f32
    %mul3A_213 = arith.mulf %mul3A_212, %get3A_205 : f32
    %mul3A_214 = arith.mulf %mul3A_213, %get3A_211 : f32
    %get3A_215 = arith.constant 2 : i32
    %get3A_216 = arith.constant 1 : i32
    %get3A_217 = arith.index_cast %get3A_215 : i32 to index
    %get3A_218 = arith.index_cast %get3A_216 : i32 to index
    %get3A_219 = memref.load %arg17[%get3A_217, %get3A_218] : memref<4x6xf32, #tpu.memory_space<smem>>
    %mul3A_220 = arith.mulf %mul3A_214, %get3A_219 : f32
    %swap3A_221 = arith.constant 2 : i32
    %swap3A_222 = arith.constant 1 : i32
    %swap3A_223 = arith.index_cast %swap3A_221 : i32 to index
    %swap3A_224 = arith.index_cast %swap3A_222 : i32 to index
    %swap3A_225 = memref.load %arg18[%swap3A_223, %swap3A_224] : memref<4x6xf32, #tpu.memory_space<smem>>
    memref.store %mul3A_220, %arg18[%swap3A_223, %swap3A_224] : memref<4x6xf32, #tpu.memory_space<smem>>
    %get3A_226 = arith.constant 3 : i32
    %get3A_227 = arith.constant 1 : i32
    %get3A_228 = arith.index_cast %get3A_226 : i32 to index
    %get3A_229 = arith.index_cast %get3A_18 : i32 to index
    %get3A_230 = arith.index_cast %get3A_227 : i32 to index
    %get3A_231 = memref.load %arg16[%get3A_228, %get3A_229, %get3A_230] : memref<4x4x6xf32, #tpu.memory_space<smem>>
    %get3A_232 = arith.constant 3 : i32
    %get3A_233 = arith.constant 1 : i32
    %get3A_234 = arith.index_cast %get3A_232 : i32 to index
    %get3A_235 = arith.index_cast %get3A_21 : i32 to index
    %get3A_236 = arith.index_cast %get3A_233 : i32 to index
    %get3A_237 = memref.load %arg16[%get3A_234, %get3A_235, %get3A_236] : memref<4x4x6xf32, #tpu.memory_space<smem>>
    %mul3A_238 = arith.constant 2.500000e-01 : f32
    %mul3A_239 = arith.mulf %mul3A_238, %get3A_231 : f32
    %mul3A_240 = arith.mulf %mul3A_239, %get3A_237 : f32
    %get3A_241 = arith.constant 3 : i32
    %get3A_242 = arith.constant 1 : i32
    %get3A_243 = arith.index_cast %get3A_241 : i32 to index
    %get3A_244 = arith.index_cast %get3A_242 : i32 to index
    %get3A_245 = memref.load %arg17[%get3A_243, %get3A_244] : memref<4x6xf32, #tpu.memory_space<smem>>
    %mul3A_246 = arith.mulf %mul3A_240, %get3A_245 : f32
    %swap3A_247 = arith.constant 3 : i32
    %swap3A_248 = arith.constant 1 : i32
    %swap3A_249 = arith.index_cast %swap3A_247 : i32 to index
    %swap3A_250 = arith.index_cast %swap3A_248 : i32 to index
    %swap3A_251 = memref.load %arg18[%swap3A_249, %swap3A_250] : memref<4x6xf32, #tpu.memory_space<smem>>
    memref.store %mul3A_246, %arg18[%swap3A_249, %swap3A_250] : memref<4x6xf32, #tpu.memory_space<smem>>
    %get3A_252 = arith.constant 0 : i32
    %get3A_253 = arith.constant 2 : i32
    %get3A_254 = arith.index_cast %get3A_252 : i32 to index
    %get3A_255 = arith.index_cast %get3A_24 : i32 to index
    %get3A_256 = arith.index_cast %get3A_253 : i32 to index
    %get3A_257 = memref.load %arg16[%get3A_254, %get3A_255, %get3A_256] : memref<4x4x6xf32, #tpu.memory_space<smem>>
    %get3A_258 = arith.constant 0 : i32
    %get3A_259 = arith.constant 2 : i32
    %get3A_260 = arith.index_cast %get3A_258 : i32 to index
    %get3A_261 = arith.index_cast %get3A_27 : i32 to index
    %get3A_262 = arith.index_cast %get3A_259 : i32 to index
    %get3A_263 = memref.load %arg16[%get3A_260, %get3A_261, %get3A_262] : memref<4x4x6xf32, #tpu.memory_space<smem>>
    %mul3A_264 = arith.constant 2.500000e-01 : f32
    %mul3A_265 = arith.mulf %mul3A_264, %get3A_257 : f32
    %mul3A_266 = arith.mulf %mul3A_265, %get3A_263 : f32
    %get3A_267 = arith.constant 0 : i32
    %get3A_268 = arith.constant 2 : i32
    %get3A_269 = arith.index_cast %get3A_267 : i32 to index
    %get3A_270 = arith.index_cast %get3A_268 : i32 to index
    %get3A_271 = memref.load %arg17[%get3A_269, %get3A_270] : memref<4x6xf32, #tpu.memory_space<smem>>
    %mul3A_272 = arith.mulf %mul3A_266, %get3A_271 : f32
    %swap3A_273 = arith.constant 0 : i32
    %swap3A_274 = arith.constant 2 : i32
    %swap3A_275 = arith.index_cast %swap3A_273 : i32 to index
    %swap3A_276 = arith.index_cast %swap3A_274 : i32 to index
    %swap3A_277 = memref.load %arg18[%swap3A_275, %swap3A_276] : memref<4x6xf32, #tpu.memory_space<smem>>
    memref.store %mul3A_272, %arg18[%swap3A_275, %swap3A_276] : memref<4x6xf32, #tpu.memory_space<smem>>
    %get3A_278 = arith.constant 1 : i32
    %get3A_279 = arith.constant 2 : i32
    %get3A_280 = arith.index_cast %get3A_278 : i32 to index
    %get3A_281 = arith.index_cast %get3A_24 : i32 to index
    %get3A_282 = arith.index_cast %get3A_279 : i32 to index
    %get3A_283 = memref.load %arg16[%get3A_280, %get3A_281, %get3A_282] : memref<4x4x6xf32, #tpu.memory_space<smem>>
    %get3A_284 = arith.constant 1 : i32
    %get3A_285 = arith.constant 2 : i32
    %get3A_286 = arith.index_cast %get3A_284 : i32 to index
    %get3A_287 = arith.index_cast %get3A_27 : i32 to index
    %get3A_288 = arith.index_cast %get3A_285 : i32 to index
    %get3A_289 = memref.load %arg16[%get3A_286, %get3A_287, %get3A_288] : memref<4x4x6xf32, #tpu.memory_space<smem>>
    %mul3A_290 = arith.constant 2.500000e-01 : f32
    %mul3A_291 = arith.mulf %mul3A_290, %get3A_283 : f32
    %mul3A_292 = arith.mulf %mul3A_291, %get3A_289 : f32
    %get3A_293 = arith.constant 1 : i32
    %get3A_294 = arith.constant 2 : i32
    %get3A_295 = arith.index_cast %get3A_293 : i32 to index
    %get3A_296 = arith.index_cast %get3A_294 : i32 to index
    %get3A_297 = memref.load %arg17[%get3A_295, %get3A_296] : memref<4x6xf32, #tpu.memory_space<smem>>
    %mul3A_298 = arith.mulf %mul3A_292, %get3A_297 : f32
    %swap3A_299 = arith.constant 1 : i32
    %swap3A_300 = arith.constant 2 : i32
    %swap3A_301 = arith.index_cast %swap3A_299 : i32 to index
    %swap3A_302 = arith.index_cast %swap3A_300 : i32 to index
    %swap3A_303 = memref.load %arg18[%swap3A_301, %swap3A_302] : memref<4x6xf32, #tpu.memory_space<smem>>
    memref.store %mul3A_298, %arg18[%swap3A_301, %swap3A_302] : memref<4x6xf32, #tpu.memory_space<smem>>
    %get3A_304 = arith.constant 2 : i32
    %get3A_305 = arith.constant 2 : i32
    %get3A_306 = arith.index_cast %get3A_304 : i32 to index
    %get3A_307 = arith.index_cast %get3A_24 : i32 to index
    %get3A_308 = arith.index_cast %get3A_305 : i32 to index
    %get3A_309 = memref.load %arg16[%get3A_306, %get3A_307, %get3A_308] : memref<4x4x6xf32, #tpu.memory_space<smem>>
    %get3A_310 = arith.constant 2 : i32
    %get3A_311 = arith.constant 2 : i32
    %get3A_312 = arith.index_cast %get3A_310 : i32 to index
    %get3A_313 = arith.index_cast %get3A_27 : i32 to index
    %get3A_314 = arith.index_cast %get3A_311 : i32 to index
    %get3A_315 = memref.load %arg16[%get3A_312, %get3A_313, %get3A_314] : memref<4x4x6xf32, #tpu.memory_space<smem>>
    %mul3A_316 = arith.constant 2.500000e-01 : f32
    %mul3A_317 = arith.mulf %mul3A_316, %get3A_309 : f32
    %mul3A_318 = arith.mulf %mul3A_317, %get3A_315 : f32
    %get3A_319 = arith.constant 2 : i32
    %get3A_320 = arith.constant 2 : i32
    %get3A_321 = arith.index_cast %get3A_319 : i32 to index
    %get3A_322 = arith.index_cast %get3A_320 : i32 to index
    %get3A_323 = memref.load %arg17[%get3A_321, %get3A_322] : memref<4x6xf32, #tpu.memory_space<smem>>
    %mul3A_324 = arith.mulf %mul3A_318, %get3A_323 : f32
    %swap3A_325 = arith.constant 2 : i32
    %swap3A_326 = arith.constant 2 : i32
    %swap3A_327 = arith.index_cast %swap3A_325 : i32 to index
    %swap3A_328 = arith.index_cast %swap3A_326 : i32 to index
    %swap3A_329 = memref.load %arg18[%swap3A_327, %swap3A_328] : memref<4x6xf32, #tpu.memory_space<smem>>
    memref.store %mul3A_324, %arg18[%swap3A_327, %swap3A_328] : memref<4x6xf32, #tpu.memory_space<smem>>
    %get3A_330 = arith.constant 3 : i32
    %get3A_331 = arith.constant 2 : i32
    %get3A_332 = arith.index_cast %get3A_330 : i32 to index
    %get3A_333 = arith.index_cast %get3A_24 : i32 to index
    %get3A_334 = arith.index_cast %get3A_331 : i32 to index
    %get3A_335 = memref.load %arg16[%get3A_332, %get3A_333, %get3A_334] : memref<4x4x6xf32, #tpu.memory_space<smem>>
    %get3A_336 = arith.constant 3 : i32
    %get3A_337 = arith.constant 2 : i32
    %get3A_338 = arith.index_cast %get3A_336 : i32 to index
    %get3A_339 = arith.index_cast %get3A_27 : i32 to index
    %get3A_340 = arith.index_cast %get3A_337 : i32 to index
    %get3A_341 = memref.load %arg16[%get3A_338, %get3A_339, %get3A_340] : memref<4x4x6xf32, #tpu.memory_space<smem>>
    %mul3A_342 = arith.constant 2.500000e-01 : f32
    %mul3A_343 = arith.mulf %mul3A_342, %get3A_335 : f32
    %mul3A_344 = arith.mulf %mul3A_343, %get3A_341 : f32
    %get3A_345 = arith.constant 3 : i32
    %get3A_346 = arith.constant 2 : i32
    %get3A_347 = arith.index_cast %get3A_345 : i32 to index
    %get3A_348 = arith.index_cast %get3A_346 : i32 to index
    %get3A_349 = memref.load %arg17[%get3A_347, %get3A_348] : memref<4x6xf32, #tpu.memory_space<smem>>
    %mul3A_350 = arith.mulf %mul3A_344, %get3A_349 : f32
    %swap3A_351 = arith.constant 3 : i32
    %swap3A_352 = arith.constant 2 : i32
    %swap3A_353 = arith.index_cast %swap3A_351 : i32 to index
    %swap3A_354 = arith.index_cast %swap3A_352 : i32 to index
    %swap3A_355 = memref.load %arg18[%swap3A_353, %swap3A_354] : memref<4x6xf32, #tpu.memory_space<smem>>
    memref.store %mul3A_350, %arg18[%swap3A_353, %swap3A_354] : memref<4x6xf32, #tpu.memory_space<smem>>
    %get3A_356 = arith.constant 0 : i32
    %get3A_357 = arith.constant 3 : i32
    %get3A_358 = arith.index_cast %get3A_356 : i32 to index
    %get3A_359 = arith.index_cast %get3A_30 : i32 to index
    %get3A_360 = arith.index_cast %get3A_357 : i32 to index
    %get3A_361 = memref.load %arg16[%get3A_358, %get3A_359, %get3A_360] : memref<4x4x6xf32, #tpu.memory_space<smem>>
    %get3A_362 = arith.constant 0 : i32
    %get3A_363 = arith.constant 3 : i32
    %get3A_364 = arith.index_cast %get3A_362 : i32 to index
    %get3A_365 = arith.index_cast %get3A_33 : i32 to index
    %get3A_366 = arith.index_cast %get3A_363 : i32 to index
    %get3A_367 = memref.load %arg16[%get3A_364, %get3A_365, %get3A_366] : memref<4x4x6xf32, #tpu.memory_space<smem>>
    %mul3A_368 = arith.constant 2.500000e-01 : f32
    %mul3A_369 = arith.mulf %mul3A_368, %get3A_361 : f32
    %mul3A_370 = arith.mulf %mul3A_369, %get3A_367 : f32
    %get3A_371 = arith.constant 0 : i32
    %get3A_372 = arith.constant 3 : i32
    %get3A_373 = arith.index_cast %get3A_371 : i32 to index
    %get3A_374 = arith.index_cast %get3A_372 : i32 to index
    %get3A_375 = memref.load %arg17[%get3A_373, %get3A_374] : memref<4x6xf32, #tpu.memory_space<smem>>
    %mul3A_376 = arith.mulf %mul3A_370, %get3A_375 : f32
    %swap3A_377 = arith.constant 0 : i32
    %swap3A_378 = arith.constant 3 : i32
    %swap3A_379 = arith.index_cast %swap3A_377 : i32 to index
    %swap3A_380 = arith.index_cast %swap3A_378 : i32 to index
    %swap3A_381 = memref.load %arg18[%swap3A_379, %swap3A_380] : memref<4x6xf32, #tpu.memory_space<smem>>
    memref.store %mul3A_376, %arg18[%swap3A_379, %swap3A_380] : memref<4x6xf32, #tpu.memory_space<smem>>
    %get3A_382 = arith.constant 1 : i32
    %get3A_383 = arith.constant 3 : i32
    %get3A_384 = arith.index_cast %get3A_382 : i32 to index
    %get3A_385 = arith.index_cast %get3A_30 : i32 to index
    %get3A_386 = arith.index_cast %get3A_383 : i32 to index
    %get3A_387 = memref.load %arg16[%get3A_384, %get3A_385, %get3A_386] : memref<4x4x6xf32, #tpu.memory_space<smem>>
    %get3A_388 = arith.constant 1 : i32
    %get3A_389 = arith.constant 3 : i32
    %get3A_390 = arith.index_cast %get3A_388 : i32 to index
    %get3A_391 = arith.index_cast %get3A_33 : i32 to index
    %get3A_392 = arith.index_cast %get3A_389 : i32 to index
    %get3A_393 = memref.load %arg16[%get3A_390, %get3A_391, %get3A_392] : memref<4x4x6xf32, #tpu.memory_space<smem>>
    %mul3A_394 = arith.constant 2.500000e-01 : f32
    %mul3A_395 = arith.mulf %mul3A_394, %get3A_387 : f32
    %mul3A_396 = arith.mulf %mul3A_395, %get3A_393 : f32
    %get3A_397 = arith.constant 1 : i32
    %get3A_398 = arith.constant 3 : i32
    %get3A_399 = arith.index_cast %get3A_397 : i32 to index
    %get3A_400 = arith.index_cast %get3A_398 : i32 to index
    %get3A_401 = memref.load %arg17[%get3A_399, %get3A_400] : memref<4x6xf32, #tpu.memory_space<smem>>
    %mul3A_402 = arith.mulf %mul3A_396, %get3A_401 : f32
    %swap3A_403 = arith.constant 1 : i32
    %swap3A_404 = arith.constant 3 : i32
    %swap3A_405 = arith.index_cast %swap3A_403 : i32 to index
    %swap3A_406 = arith.index_cast %swap3A_404 : i32 to index
    %swap3A_407 = memref.load %arg18[%swap3A_405, %swap3A_406] : memref<4x6xf32, #tpu.memory_space<smem>>
    memref.store %mul3A_402, %arg18[%swap3A_405, %swap3A_406] : memref<4x6xf32, #tpu.memory_space<smem>>
    %get3A_408 = arith.constant 2 : i32
    %get3A_409 = arith.constant 3 : i32
    %get3A_410 = arith.index_cast %get3A_408 : i32 to index
    %get3A_411 = arith.index_cast %get3A_30 : i32 to index
    %get3A_412 = arith.index_cast %get3A_409 : i32 to index
    %get3A_413 = memref.load %arg16[%get3A_410, %get3A_411, %get3A_412] : memref<4x4x6xf32, #tpu.memory_space<smem>>
    %get3A_414 = arith.constant 2 : i32
    %get3A_415 = arith.constant 3 : i32
    %get3A_416 = arith.index_cast %get3A_414 : i32 to index
    %get3A_417 = arith.index_cast %get3A_33 : i32 to index
    %get3A_418 = arith.index_cast %get3A_415 : i32 to index
    %get3A_419 = memref.load %arg16[%get3A_416, %get3A_417, %get3A_418] : memref<4x4x6xf32, #tpu.memory_space<smem>>
    %mul3A_420 = arith.constant 2.500000e-01 : f32
    %mul3A_421 = arith.mulf %mul3A_420, %get3A_413 : f32
    %mul3A_422 = arith.mulf %mul3A_421, %get3A_419 : f32
    %get3A_423 = arith.constant 2 : i32
    %get3A_424 = arith.constant 3 : i32
    %get3A_425 = arith.index_cast %get3A_423 : i32 to index
    %get3A_426 = arith.index_cast %get3A_424 : i32 to index
    %get3A_427 = memref.load %arg17[%get3A_425, %get3A_426] : memref<4x6xf32, #tpu.memory_space<smem>>
    %mul3A_428 = arith.mulf %mul3A_422, %get3A_427 : f32
    %swap3A_429 = arith.constant 2 : i32
    %swap3A_430 = arith.constant 3 : i32
    %swap3A_431 = arith.index_cast %swap3A_429 : i32 to index
    %swap3A_432 = arith.index_cast %swap3A_430 : i32 to index
    %swap3A_433 = memref.load %arg18[%swap3A_431, %swap3A_432] : memref<4x6xf32, #tpu.memory_space<smem>>
    memref.store %mul3A_428, %arg18[%swap3A_431, %swap3A_432] : memref<4x6xf32, #tpu.memory_space<smem>>
    %get3A_434 = arith.constant 3 : i32
    %get3A_435 = arith.constant 3 : i32
    %get3A_436 = arith.index_cast %get3A_434 : i32 to index
    %get3A_437 = arith.index_cast %get3A_30 : i32 to index
    %get3A_438 = arith.index_cast %get3A_435 : i32 to index
    %get3A_439 = memref.load %arg16[%get3A_436, %get3A_437, %get3A_438] : memref<4x4x6xf32, #tpu.memory_space<smem>>
    %get3A_440 = arith.constant 3 : i32
    %get3A_441 = arith.constant 3 : i32
    %get3A_442 = arith.index_cast %get3A_440 : i32 to index
    %get3A_443 = arith.index_cast %get3A_33 : i32 to index
    %get3A_444 = arith.index_cast %get3A_441 : i32 to index
    %get3A_445 = memref.load %arg16[%get3A_442, %get3A_443, %get3A_444] : memref<4x4x6xf32, #tpu.memory_space<smem>>
    %mul3A_446 = arith.constant 2.500000e-01 : f32
    %mul3A_447 = arith.mulf %mul3A_446, %get3A_439 : f32
    %mul3A_448 = arith.mulf %mul3A_447, %get3A_445 : f32
    %get3A_449 = arith.constant 3 : i32
    %get3A_450 = arith.constant 3 : i32
    %get3A_451 = arith.index_cast %get3A_449 : i32 to index
    %get3A_452 = arith.index_cast %get3A_450 : i32 to index
    %get3A_453 = memref.load %arg17[%get3A_451, %get3A_452] : memref<4x6xf32, #tpu.memory_space<smem>>
    %mul3A_454 = arith.mulf %mul3A_448, %get3A_453 : f32
    %swap3A_455 = arith.constant 3 : i32
    %swap3A_456 = arith.constant 3 : i32
    %swap3A_457 = arith.index_cast %swap3A_455 : i32 to index
    %swap3A_458 = arith.index_cast %swap3A_456 : i32 to index
    %swap3A_459 = memref.load %arg18[%swap3A_457, %swap3A_458] : memref<4x6xf32, #tpu.memory_space<smem>>
    memref.store %mul3A_454, %arg18[%swap3A_457, %swap3A_458] : memref<4x6xf32, #tpu.memory_space<smem>>
    %get3A_460 = arith.constant 0 : i32
    %get3A_461 = arith.constant 4 : i32
    %get3A_462 = arith.index_cast %get3A_460 : i32 to index
    %get3A_463 = arith.index_cast %get3A_36 : i32 to index
    %get3A_464 = arith.index_cast %get3A_461 : i32 to index
    %get3A_465 = memref.load %arg16[%get3A_462, %get3A_463, %get3A_464] : memref<4x4x6xf32, #tpu.memory_space<smem>>
    %get3A_466 = arith.constant 0 : i32
    %get3A_467 = arith.constant 4 : i32
    %get3A_468 = arith.index_cast %get3A_466 : i32 to index
    %get3A_469 = arith.index_cast %get3A_39 : i32 to index
    %get3A_470 = arith.index_cast %get3A_467 : i32 to index
    %get3A_471 = memref.load %arg16[%get3A_468, %get3A_469, %get3A_470] : memref<4x4x6xf32, #tpu.memory_space<smem>>
    %mul3A_472 = arith.constant 2.500000e-01 : f32
    %mul3A_473 = arith.mulf %mul3A_472, %get3A_465 : f32
    %mul3A_474 = arith.mulf %mul3A_473, %get3A_471 : f32
    %get3A_475 = arith.constant 0 : i32
    %get3A_476 = arith.constant 4 : i32
    %get3A_477 = arith.index_cast %get3A_475 : i32 to index
    %get3A_478 = arith.index_cast %get3A_476 : i32 to index
    %get3A_479 = memref.load %arg17[%get3A_477, %get3A_478] : memref<4x6xf32, #tpu.memory_space<smem>>
    %mul3A_480 = arith.mulf %mul3A_474, %get3A_479 : f32
    %swap3A_481 = arith.constant 0 : i32
    %swap3A_482 = arith.constant 4 : i32
    %swap3A_483 = arith.index_cast %swap3A_481 : i32 to index
    %swap3A_484 = arith.index_cast %swap3A_482 : i32 to index
    %swap3A_485 = memref.load %arg18[%swap3A_483, %swap3A_484] : memref<4x6xf32, #tpu.memory_space<smem>>
    memref.store %mul3A_480, %arg18[%swap3A_483, %swap3A_484] : memref<4x6xf32, #tpu.memory_space<smem>>
    %get3A_486 = arith.constant 1 : i32
    %get3A_487 = arith.constant 4 : i32
    %get3A_488 = arith.index_cast %get3A_486 : i32 to index
    %get3A_489 = arith.index_cast %get3A_36 : i32 to index
    %get3A_490 = arith.index_cast %get3A_487 : i32 to index
    %get3A_491 = memref.load %arg16[%get3A_488, %get3A_489, %get3A_490] : memref<4x4x6xf32, #tpu.memory_space<smem>>
    %get3A_492 = arith.constant 1 : i32
    %get3A_493 = arith.constant 4 : i32
    %get3A_494 = arith.index_cast %get3A_492 : i32 to index
    %get3A_495 = arith.index_cast %get3A_39 : i32 to index
    %get3A_496 = arith.index_cast %get3A_493 : i32 to index
    %get3A_497 = memref.load %arg16[%get3A_494, %get3A_495, %get3A_496] : memref<4x4x6xf32, #tpu.memory_space<smem>>
    %mul3A_498 = arith.constant 2.500000e-01 : f32
    %mul3A_499 = arith.mulf %mul3A_498, %get3A_491 : f32
    %mul3A_500 = arith.mulf %mul3A_499, %get3A_497 : f32
    %get3A_501 = arith.constant 1 : i32
    %get3A_502 = arith.constant 4 : i32
    %get3A_503 = arith.index_cast %get3A_501 : i32 to index
    %get3A_504 = arith.index_cast %get3A_502 : i32 to index
    %get3A_505 = memref.load %arg17[%get3A_503, %get3A_504] : memref<4x6xf32, #tpu.memory_space<smem>>
    %mul3A_506 = arith.mulf %mul3A_500, %get3A_505 : f32
    %swap3A_507 = arith.constant 1 : i32
    %swap3A_508 = arith.constant 4 : i32
    %swap3A_509 = arith.index_cast %swap3A_507 : i32 to index
    %swap3A_510 = arith.index_cast %swap3A_508 : i32 to index
    %swap3A_511 = memref.load %arg18[%swap3A_509, %swap3A_510] : memref<4x6xf32, #tpu.memory_space<smem>>
    memref.store %mul3A_506, %arg18[%swap3A_509, %swap3A_510] : memref<4x6xf32, #tpu.memory_space<smem>>
    %get3A_512 = arith.constant 2 : i32
    %get3A_513 = arith.constant 4 : i32
    %get3A_514 = arith.index_cast %get3A_512 : i32 to index
    %get3A_515 = arith.index_cast %get3A_36 : i32 to index
    %get3A_516 = arith.index_cast %get3A_513 : i32 to index
    %get3A_517 = memref.load %arg16[%get3A_514, %get3A_515, %get3A_516] : memref<4x4x6xf32, #tpu.memory_space<smem>>
    %get3A_518 = arith.constant 2 : i32
    %get3A_519 = arith.constant 4 : i32
    %get3A_520 = arith.index_cast %get3A_518 : i32 to index
    %get3A_521 = arith.index_cast %get3A_39 : i32 to index
    %get3A_522 = arith.index_cast %get3A_519 : i32 to index
    %get3A_523 = memref.load %arg16[%get3A_520, %get3A_521, %get3A_522] : memref<4x4x6xf32, #tpu.memory_space<smem>>
    %mul3A_524 = arith.constant 2.500000e-01 : f32
    %mul3A_525 = arith.mulf %mul3A_524, %get3A_517 : f32
    %mul3A_526 = arith.mulf %mul3A_525, %get3A_523 : f32
    %get3A_527 = arith.constant 2 : i32
    %get3A_528 = arith.constant 4 : i32
    %get3A_529 = arith.index_cast %get3A_527 : i32 to index
    %get3A_530 = arith.index_cast %get3A_528 : i32 to index
    %get3A_531 = memref.load %arg17[%get3A_529, %get3A_530] : memref<4x6xf32, #tpu.memory_space<smem>>
    %mul3A_532 = arith.mulf %mul3A_526, %get3A_531 : f32
    %swap3A_533 = arith.constant 2 : i32
    %swap3A_534 = arith.constant 4 : i32
    %swap3A_535 = arith.index_cast %swap3A_533 : i32 to index
    %swap3A_536 = arith.index_cast %swap3A_534 : i32 to index
    %swap3A_537 = memref.load %arg18[%swap3A_535, %swap3A_536] : memref<4x6xf32, #tpu.memory_space<smem>>
    memref.store %mul3A_532, %arg18[%swap3A_535, %swap3A_536] : memref<4x6xf32, #tpu.memory_space<smem>>
    %get3A_538 = arith.constant 3 : i32
    %get3A_539 = arith.constant 4 : i32
    %get3A_540 = arith.index_cast %get3A_538 : i32 to index
    %get3A_541 = arith.index_cast %get3A_36 : i32 to index
    %get3A_542 = arith.index_cast %get3A_539 : i32 to index
    %get3A_543 = memref.load %arg16[%get3A_540, %get3A_541, %get3A_542] : memref<4x4x6xf32, #tpu.memory_space<smem>>
    %get3A_544 = arith.constant 3 : i32
    %get3A_545 = arith.constant 4 : i32
    %get3A_546 = arith.index_cast %get3A_544 : i32 to index
    %get3A_547 = arith.index_cast %get3A_39 : i32 to index
    %get3A_548 = arith.index_cast %get3A_545 : i32 to index
    %get3A_549 = memref.load %arg16[%get3A_546, %get3A_547, %get3A_548] : memref<4x4x6xf32, #tpu.memory_space<smem>>
    %mul3A_550 = arith.constant 2.500000e-01 : f32
    %mul3A_551 = arith.mulf %mul3A_550, %get3A_543 : f32
    %mul3A_552 = arith.mulf %mul3A_551, %get3A_549 : f32
    %get3A_553 = arith.constant 3 : i32
    %get3A_554 = arith.constant 4 : i32
    %get3A_555 = arith.index_cast %get3A_553 : i32 to index
    %get3A_556 = arith.index_cast %get3A_554 : i32 to index
    %get3A_557 = memref.load %arg17[%get3A_555, %get3A_556] : memref<4x6xf32, #tpu.memory_space<smem>>
    %mul3A_558 = arith.mulf %mul3A_552, %get3A_557 : f32
    %swap3A_559 = arith.constant 3 : i32
    %swap3A_560 = arith.constant 4 : i32
    %swap3A_561 = arith.index_cast %swap3A_559 : i32 to index
    %swap3A_562 = arith.index_cast %swap3A_560 : i32 to index
    %swap3A_563 = memref.load %arg18[%swap3A_561, %swap3A_562] : memref<4x6xf32, #tpu.memory_space<smem>>
    memref.store %mul3A_558, %arg18[%swap3A_561, %swap3A_562] : memref<4x6xf32, #tpu.memory_space<smem>>
    %get3A_564 = arith.constant 0 : i32
    %get3A_565 = arith.constant 5 : i32
    %get3A_566 = arith.index_cast %get3A_564 : i32 to index
    %get3A_567 = arith.index_cast %get3A_42 : i32 to index
    %get3A_568 = arith.index_cast %get3A_565 : i32 to index
    %get3A_569 = memref.load %arg16[%get3A_566, %get3A_567, %get3A_568] : memref<4x4x6xf32, #tpu.memory_space<smem>>
    %get3A_570 = arith.constant 0 : i32
    %get3A_571 = arith.constant 5 : i32
    %get3A_572 = arith.index_cast %get3A_570 : i32 to index
    %get3A_573 = arith.index_cast %get3A_45 : i32 to index
    %get3A_574 = arith.index_cast %get3A_571 : i32 to index
    %get3A_575 = memref.load %arg16[%get3A_572, %get3A_573, %get3A_574] : memref<4x4x6xf32, #tpu.memory_space<smem>>
    %mul3A_576 = arith.constant 2.500000e-01 : f32
    %mul3A_577 = arith.mulf %mul3A_576, %get3A_569 : f32
    %mul3A_578 = arith.mulf %mul3A_577, %get3A_575 : f32
    %get3A_579 = arith.constant 0 : i32
    %get3A_580 = arith.constant 5 : i32
    %get3A_581 = arith.index_cast %get3A_579 : i32 to index
    %get3A_582 = arith.index_cast %get3A_580 : i32 to index
    %get3A_583 = memref.load %arg17[%get3A_581, %get3A_582] : memref<4x6xf32, #tpu.memory_space<smem>>
    %mul3A_584 = arith.mulf %mul3A_578, %get3A_583 : f32
    %swap3A_585 = arith.constant 0 : i32
    %swap3A_586 = arith.constant 5 : i32
    %swap3A_587 = arith.index_cast %swap3A_585 : i32 to index
    %swap3A_588 = arith.index_cast %swap3A_586 : i32 to index
    %swap3A_589 = memref.load %arg18[%swap3A_587, %swap3A_588] : memref<4x6xf32, #tpu.memory_space<smem>>
    memref.store %mul3A_584, %arg18[%swap3A_587, %swap3A_588] : memref<4x6xf32, #tpu.memory_space<smem>>
    %get3A_590 = arith.constant 1 : i32
    %get3A_591 = arith.constant 5 : i32
    %get3A_592 = arith.index_cast %get3A_590 : i32 to index
    %get3A_593 = arith.index_cast %get3A_42 : i32 to index
    %get3A_594 = arith.index_cast %get3A_591 : i32 to index
    %get3A_595 = memref.load %arg16[%get3A_592, %get3A_593, %get3A_594] : memref<4x4x6xf32, #tpu.memory_space<smem>>
    %get3A_596 = arith.constant 1 : i32
    %get3A_597 = arith.constant 5 : i32
    %get3A_598 = arith.index_cast %get3A_596 : i32 to index
    %get3A_599 = arith.index_cast %get3A_45 : i32 to index
    %get3A_600 = arith.index_cast %get3A_597 : i32 to index
    %get3A_601 = memref.load %arg16[%get3A_598, %get3A_599, %get3A_600] : memref<4x4x6xf32, #tpu.memory_space<smem>>
    %mul3A_602 = arith.constant 2.500000e-01 : f32
    %mul3A_603 = arith.mulf %mul3A_602, %get3A_595 : f32
    %mul3A_604 = arith.mulf %mul3A_603, %get3A_601 : f32
    %get3A_605 = arith.constant 1 : i32
    %get3A_606 = arith.constant 5 : i32
    %get3A_607 = arith.index_cast %get3A_605 : i32 to index
    %get3A_608 = arith.index_cast %get3A_606 : i32 to index
    %get3A_609 = memref.load %arg17[%get3A_607, %get3A_608] : memref<4x6xf32, #tpu.memory_space<smem>>
    %mul3A_610 = arith.mulf %mul3A_604, %get3A_609 : f32
    %swap3A_611 = arith.constant 1 : i32
    %swap3A_612 = arith.constant 5 : i32
    %swap3A_613 = arith.index_cast %swap3A_611 : i32 to index
    %swap3A_614 = arith.index_cast %swap3A_612 : i32 to index
    %swap3A_615 = memref.load %arg18[%swap3A_613, %swap3A_614] : memref<4x6xf32, #tpu.memory_space<smem>>
    memref.store %mul3A_610, %arg18[%swap3A_613, %swap3A_614] : memref<4x6xf32, #tpu.memory_space<smem>>
    %get3A_616 = arith.constant 2 : i32
    %get3A_617 = arith.constant 5 : i32
    %get3A_618 = arith.index_cast %get3A_616 : i32 to index
    %get3A_619 = arith.index_cast %get3A_42 : i32 to index
    %get3A_620 = arith.index_cast %get3A_617 : i32 to index
    %get3A_621 = memref.load %arg16[%get3A_618, %get3A_619, %get3A_620] : memref<4x4x6xf32, #tpu.memory_space<smem>>
    %get3A_622 = arith.constant 2 : i32
    %get3A_623 = arith.constant 5 : i32
    %get3A_624 = arith.index_cast %get3A_622 : i32 to index
    %get3A_625 = arith.index_cast %get3A_45 : i32 to index
    %get3A_626 = arith.index_cast %get3A_623 : i32 to index
    %get3A_627 = memref.load %arg16[%get3A_624, %get3A_625, %get3A_626] : memref<4x4x6xf32, #tpu.memory_space<smem>>
    %mul3A_628 = arith.constant 2.500000e-01 : f32
    %mul3A_629 = arith.mulf %mul3A_628, %get3A_621 : f32
    %mul3A_630 = arith.mulf %mul3A_629, %get3A_627 : f32
    %get3A_631 = arith.constant 2 : i32
    %get3A_632 = arith.constant 5 : i32
    %get3A_633 = arith.index_cast %get3A_631 : i32 to index
    %get3A_634 = arith.index_cast %get3A_632 : i32 to index
    %get3A_635 = memref.load %arg17[%get3A_633, %get3A_634] : memref<4x6xf32, #tpu.memory_space<smem>>
    %mul3A_636 = arith.mulf %mul3A_630, %get3A_635 : f32
    %swap3A_637 = arith.constant 2 : i32
    %swap3A_638 = arith.constant 5 : i32
    %swap3A_639 = arith.index_cast %swap3A_637 : i32 to index
    %swap3A_640 = arith.index_cast %swap3A_638 : i32 to index
    %swap3A_641 = memref.load %arg18[%swap3A_639, %swap3A_640] : memref<4x6xf32, #tpu.memory_space<smem>>
    memref.store %mul3A_636, %arg18[%swap3A_639, %swap3A_640] : memref<4x6xf32, #tpu.memory_space<smem>>
    %get3A_642 = arith.constant 3 : i32
    %get3A_643 = arith.constant 5 : i32
    %get3A_644 = arith.index_cast %get3A_642 : i32 to index
    %get3A_645 = arith.index_cast %get3A_42 : i32 to index
    %get3A_646 = arith.index_cast %get3A_643 : i32 to index
    %get3A_647 = memref.load %arg16[%get3A_644, %get3A_645, %get3A_646] : memref<4x4x6xf32, #tpu.memory_space<smem>>
    %get3A_648 = arith.constant 3 : i32
    %get3A_649 = arith.constant 5 : i32
    %get3A_650 = arith.index_cast %get3A_648 : i32 to index
    %get3A_651 = arith.index_cast %get3A_45 : i32 to index
    %get3A_652 = arith.index_cast %get3A_649 : i32 to index
    %get3A_653 = memref.load %arg16[%get3A_650, %get3A_651, %get3A_652] : memref<4x4x6xf32, #tpu.memory_space<smem>>
    %mul3A_654 = arith.constant 2.500000e-01 : f32
    %mul3A_655 = arith.mulf %mul3A_654, %get3A_647 : f32
    %mul3A_656 = arith.mulf %mul3A_655, %get3A_653 : f32
    %get3A_657 = arith.constant 3 : i32
    %get3A_658 = arith.constant 5 : i32
    %get3A_659 = arith.index_cast %get3A_657 : i32 to index
    %get3A_660 = arith.index_cast %get3A_658 : i32 to index
    %get3A_661 = memref.load %arg17[%get3A_659, %get3A_660] : memref<4x6xf32, #tpu.memory_space<smem>>
    %mul3A_662 = arith.mulf %mul3A_656, %get3A_661 : f32
    %swap3A_663 = arith.constant 3 : i32
    %swap3A_664 = arith.constant 5 : i32
    %swap3A_665 = arith.index_cast %swap3A_663 : i32 to index
    %swap3A_666 = arith.index_cast %swap3A_664 : i32 to index
    %swap3A_667 = memref.load %arg18[%swap3A_665, %swap3A_666] : memref<4x6xf32, #tpu.memory_space<smem>>
    memref.store %mul3A_662, %arg18[%swap3A_665, %swap3A_666] : memref<4x6xf32, #tpu.memory_space<smem>>
    "tpu.region"() ({
      %run_scoped3A = tpu.sem_alloc : memref<!tpu.dma_semaphore, #tpu.memory_space<semaphore_mem>>
      tpu.enqueue_dma source(%arg18 : memref<4x6xf32, #tpu.memory_space<smem>>) target(%arg15 : memref<4x6xf32, #tpu.memory_space<hbm>>) target_semaphore(%run_scoped3A : memref<!tpu.dma_semaphore, #tpu.memory_space<semaphore_mem>>)
      tpu.wait_dma2 semaphore(%run_scoped3A : memref<!tpu.dma_semaphore, #tpu.memory_space<semaphore_mem>>) src(%arg18 : memref<4x6xf32, #tpu.memory_space<smem>>) dst(%arg15 : memref<4x6xf32, #tpu.memory_space<hbm>>)
      tpu.yield
    }) : () -> ()
    return
  }
}

</mosaic_0001>

<sc_bundles>
// kernel: kernel.3.cloned.1.call-start
scs
__scs_entry_jumppad:
0x0: {  	(pc) =	sbr.rel $0x88, $3  }
0x1: {  	(tag) =	ssettag $0x0;
	lr =	simm.s32 $0x1  }
0x2: {  	[smem:$0x3F9E] =	sst lr;
	_ =	strace $0xD0000000  }
0x3: {  	_ = 	snop  }
0x4: {  	_ = 	snop  }
0x5: {  	_ = 	snop  }
0x6: {  	_ = 	snop  }
0x7: {  	_ = 	snop  }
__scs_overlays_trampoline_lowered:
0x8: {  	[smem:$0x3FAD] =	sst s0  }
0x9: {  	[smem:$0x3FAE] =	sst s1  }
0xa: {  	[smem:$0x3FAF] =	sst s2  }
0xb: {  	[smem:$0x3FB0] =	sst s3  }
0xc: {  	[smem:$0x3FB1] =	sst s4  }
0xd: {  	[smem:$0x3FB2] =	sst s5  }
0xe: {  	[smem:$0x3FB3] =	sst s6  }
0xf: {  	[smem:$0x3FB4] =	sst s7  }
0x10: {  	[smem:$0x3FB5] =	sst s8  }
0x11: {  	[smem:$0x3FB6] =	sst s9;
	s0 =	simm.s32 @!p0 $0x0  }
0x12: {  	s1 =	sld [smem:$0x3F9C];
	s0 =	simm.s32 @p0 $0x1  }
0x13: {  	[smem:$0x3FB7] =	sst s0;
	s0 =	simm.s32 @!p1 $0x0  }
0x14: {  	s2 =	sld [smem:$0x3F9B];
	s0 =	simm.s32 @p1 $0x1  }
0x15: {  	[smem:$0x3FB8] =	sst s0;
	s0 =	simm.s32 @!p2 $0x0  }
0x16: {  	s3 =	sld [smem:$0x3FDB];
	s0 =	simm.s32 @p2 $0x1  }
0x17: {  	s4 =	simm.s32 $0x1BF5;
	[smem:$0x3FBA] =	sst s0  }
0x18: {  	s0 =	sld [smem:$0x3F9D];
	_ =	swait.ge [sflag:s4], $0x0  }
0x19: {  	s7 =	sld [smem:$0x3F9E]  }
0x1a: {  	s8 =	sadd.s32 $0xFFFFE003, lr  }
0x1b: {  	s9 =	sadd.s32 $0xFFFFFEF7, lr;
	s5 =	simm.s32 $0xFFFFFFFF;
	p2 =	slt.u32 s8, $0xFFFFF086  }
0x1c: {  	p1 =	slt.u32 s9, $0xF7A;
	s5 =	simm.s32 @!p2 $0x0  }
0x1d: {  	s5 =	simm.s32 @p1 $0x1;
	p0 =	seq.s32 s7, s2  }
0x1e: {  	s7 =	smul.u32 @!p0 $0xF7A, s2;
	p2 =	seq.s32 @!p0 s5, $0x0  }
0x1f: {  	s9 =	smul.u32 $0xF7A, s1;
	s8 =	simm.s32 @!p0 $0x1BF5;
	p2 =	por !p2, p0  }
0x20: {  	[sflag:s8] =	ssyncset.s32 @!p0 $0xFFFFF086;
	s6 =	sadd.s32 @!p0 s3, s7;
	s7 =	simm.s32 @!p0 $0x108  }
0x21: {  	s3 =	sadd.s32 s3, s9;
	s6 =	sadd.s32 @!p0 $0x88, s6;
	s7 =	simm.s32 @p2 $0x1082  }
0x22: {  	[simem:s7], [sflag:s8] =	dma.local @!p0 [hbm:s6], $0xF7A  }
0x23: {  	s9 =	sor.u32 $0xD0000000, s2;
	s6 =	simm.s32 $0x108;
	_ =	swait.ge @!p0 [sflag:s8], $0x0  }
0x24: {  	s3 =	sadd.s32 $0x88, s3;
	s6 =	simm.s32 @!p1 $0x1082;
	[sflag:s4] =	ssyncset.s32 $0xFFFFF086  }
0x25: {  	[simem:s6], [sflag:s4] =	dma.local [hbm:s3], $0xF7A  }
0x26: {  	[smem:$0x3F9E] =	sst s1;
	(tag) =	ssettag s2;
	_ =	strace s9  }
0x27: {  	s1 =	sld [smem:$0x3FAE]  }
0x28: {  	s2 =	sld [smem:$0x3FAF]  }
0x29: {  	s4 =	sld [smem:$0x3FB1]  }
0x2a: {  	p0 =	seq.s32 s5, $0x0;
	s5 =	sld [smem:$0x3FB2]  }
0x2b: {  	s6 =	sld [smem:$0x3FB3]  }
0x2c: {  	s7 =	sld [smem:$0x3FB4]  }
0x2d: {  	s3 =	simm.s32 $0x108;
	s8 =	sld [smem:$0x3FB5]  }
0x2e: {  	s3 =	simm.s32 @!p0 $0x1082;
	s9 =	sld [smem:$0x3FB6]  }
0x2f: {  	lr =	sadd.s32 s0, s3;
	s0 =	sld [smem:$0x3FAD]  }
0x30: {  	s3 =	sld [smem:$0x3FB0]  }
0x31: {  	[smem:$0x3FB9] =	sst s10  }
0x32: {  	s10 =	sld [smem:$0x3FB7];
	_ =	sdelay $0x3  }
0x33: {  	p0 =	seq.s32 s10, $0x1;
	s10 =	sld [smem:$0x3FB9];
	_ =	sdelay $0x3  }
0x34: {  	[smem:$0x3FB9] =	sst s10  }
0x35: {  	s10 =	sld [smem:$0x3FB8];
	_ =	sdelay $0x3  }
0x36: {  	p1 =	seq.s32 s10, $0x1;
	s10 =	sld [smem:$0x3FB9];
	_ =	sdelay $0x3  }
0x37: {  	[smem:$0x3FB9] =	sst s10  }
0x38: {  	s10 =	sld [smem:$0x3FBA]  }
0x39: {  	_ = 	snop;
	(pc) =	sbr.ind lr, $3  }
0x3a: {  	_ = 	snop  }
0x3b: {  	_ = 	snop  }
0x3c: {  	p2 =	seq.s32 s10, $0x1;
	s10 =	sld [smem:$0x3FB9]  }
0x3d: {  	_ =	shalt  }
0x3e: {  	_ =	shalt  }
0x3f: {  	_ =	shalt  }
0x40: {  	_ =	shalt  }
0x41: {  	_ =	shalt  }
0x42: {  	_ =	shalt  }
0x43: {  	_ =	shalt  }
0x44: {  	_ =	shalt  }
0x45: {  	_ =	shalt  }
0x46: {  	_ =	shalt  }
0x47: {  	_ =	shalt  }
0x48: {  	_ =	shalt  }
0x49: {  	_ =	shalt  }
0x4a: {  	_ =	shalt  }
0x4b: {  	_ =	shalt  }
0x4c: {  	_ =	shalt  }
0x4d: {  	_ =	shalt  }
0x4e: {  	_ =	shalt  }
0x4f: {  	_ =	shalt  }
0x50: {  	_ =	shalt  }
0x51: {  	_ =	shalt  }
0x52: {  	_ =	shalt  }
0x53: {  	_ =	shalt  }
0x54: {  	_ =	shalt  }
0x55: {  	_ =	shalt  }
0x56: {  	_ =	shalt  }
0x57: {  	_ =	shalt  }
0x58: {  	_ =	shalt  }
0x59: {  	_ =	shalt  }
0x5a: {  	_ =	shalt  }
0x5b: {  	_ =	shalt  }
0x5c: {  	_ =	shalt  }
0x5d: {  	_ =	shalt  }
0x5e: {  	_ =	shalt  }
0x5f: {  	_ =	shalt  }
0x60: {  	_ =	shalt  }
0x61: {  	_ =	shalt  }
0x62: {  	_ =	shalt  }
0x63: {  	_ =	shalt  }
0x64: {  	_ =	shalt  }
0x65: {  	_ =	shalt  }
0x66: {  	_ =	shalt  }
0x67: {  	_ =	shalt  }
0x68: {  	_ =	shalt  }
0x69: {  	_ =	shalt  }
0x6a: {  	_ =	shalt  }
0x6b: {  	_ =	shalt  }
0x6c: {  	_ =	shalt  }
0x6d: {  	_ =	shalt  }
0x6e: {  	_ =	shalt  }
0x6f: {  	_ =	shalt  }
0x70: {  	_ =	shalt  }
0x71: {  	_ =	shalt  }
0x72: {  	_ =	shalt  }
0x73: {  	_ =	shalt  }
0x74: {  	_ =	shalt  }
0x75: {  	_ =	shalt  }
0x76: {  	_ =	shalt  }
0x77: {  	_ =	shalt  }
0x78: {  	_ =	shalt  }
0x79: {  	_ =	shalt  }
0x7a: {  	_ =	shalt  }
0x7b: {  	_ =	shalt  }
0x7c: {  	_ =	shalt  }
0x7d: {  	_ =	shalt  }
0x7e: {  	_ =	shalt  }
0x7f: {  	_ =	shalt  }
0x80: {  	_ =	shalt  }
0x81: {  	_ =	shalt  }
0x82: {  	_ =	shalt  }
0x83: {  	_ =	shalt  }
0x84: {  	_ =	shalt  }
0x85: {  	_ =	shalt  }
0x86: {  	_ =	shalt  }
0x87: {  	_ =	shalt  }
.Lfunc_end0:
.L_simem_size_0:
called_computation_lowered:
.L_overlay_start_0:
0x88: {  	s0 =	sld [smem:$0x3FD9]  }
0x89: {  	s1 =	sld [smem:$0x3FFE];
	_ =	sdelay $0x3  }
0x8a: {  	s0 =	sadd.s32 s1, s0  }
0x8b: {  	[smem:$0x3FC5] =	sst s0  }
0x8c: {  	_ = 	snop  }
0x8d: {  	s9 =	sld [smem:$0x3FC9]  }
0x8e: {  	s8 =	sld [smem:$0x3FC7]  }
0x8f: {  	s0 =	sld [smem:$0x3FD0];
	(tm) =	ssettm $0x1  }
0x90: {  	s4 =	sld [smem:$0x3FFB];
	_ =	sdelay $0x3  }
0x91: {  	_ =	strace s4  }
0x92: {  	s1 =	sld [smem:$0x3FFC];
	_ =	sdelay $0x3  }
0x93: {  	_ =	strace s1  }
0x94: {  	s1 =	sld [smem:$0x3FFD];
	_ =	sdelay $0x2  }
0x95: {  	s5 =	simm.s32 $0x1B8B;
	s6 =	simm.s32 $0x1B8E  }
0x96: {  	s10 =	simm.s32 $0xC90;
	s12 =	simm.s32 $0xD10;
	_ =	strace s1  }
0x97: {  	s14 =	simm.s32 $0xD90;
	s16 =	simm.s32 $0xE10;
	_ =	strace $0x8FFFFFFF  }
0x98: {  	s18 =	simm.s32 $0xE90;
	s20 =	simm.s32 $0xF10;
	_ =	swait.ge [sflag:s5], $0x1  }
0x99: {  	s22 =	simm.s32 $0xF90;
	[sflag:s5] =	ssyncset.done $0x0;
	s2 =	sld [smem:$0x3FFE]  }
0x9a: {  	s24 =	simm.s32 $0x1010;
	s26 =	simm.s32 $0x1090;
	[sflag:s5] =	ssyncadd.s32 $0xFFFFFFFF  }
0x9b: {  	s29 =	simm.s32 $0x1110;
	s30 =	simm.s32 $0x1190;
	[smem:$0x3FD2] =	sst s6  }
0x9c: {  	s4 =	simm.s32 $0xC10;
	s1 =	simm.s32 $0xA;
	_ =	strace $0x80000046  }
0x9d: {  	s3 =	sadd.s32 $0x1E00, s2;
	s7 =	sadd.s32 $0x1C00, s2;
	s11 =	sadd.s32 $0x1A00, s2  }
0x9e: {  	s13 =	sadd.s32 $0x1800, s2;
	s15 =	sadd.s32 $0x1600, s2;
	s17 =	sadd.s32 $0x1400, s2  }
0x9f: {  	s19 =	sadd.s32 $0x1200, s2;
	s21 =	sadd.s32 $0x1000, s2;
	s23 =	sadd.s32 $0xE00, s2  }
0xa0: {  	s25 =	sadd.s32 $0xC00, s2;
	s28 =	sadd.s32 $0xA00, s2;
	s2 =	sadd.s32 $0x800, s2  }
0xa1: {  	[smem:s4], [sflag:s1] =	dma.local [hbm:s3], $0x10  }
0xa2: {  	[smem:s10], [sflag:s1] =	dma.local [hbm:s7], $0x10  }
0xa3: {  	[smem:s12], [sflag:s1] =	dma.local [hbm:s11], $0x10  }
0xa4: {  	[smem:s14], [sflag:s1] =	dma.local [hbm:s13], $0x10  }
0xa5: {  	[smem:s16], [sflag:s1] =	dma.local [hbm:s15], $0x10  }
0xa6: {  	[smem:s18], [sflag:s1] =	dma.local [hbm:s17], $0x10  }
0xa7: {  	[smem:s20], [sflag:s1] =	dma.local [hbm:s19], $0x10  }
0xa8: {  	[smem:s22], [sflag:s1] =	dma.local [hbm:s21], $0x10  }
0xa9: {  	[smem:s24], [sflag:s1] =	dma.local [hbm:s23], $0x10  }
0xaa: {  	[smem:s26], [sflag:s1] =	dma.local [hbm:s25], $0x10  }
0xab: {  	[smem:s29], [sflag:s1] =	dma.local [hbm:s28], $0x10  }
0xac: {  	[smem:s30], [sflag:s1] =	dma.local [hbm:s2], $0x10  }
0xad: {  	_ =	swait.ge [sflag:s1], $0x10  }
0xae: {  	[sflag:s1] =	ssyncset.done $0x0  }
0xaf: {  	[sflag:s1] =	ssyncadd.s32 $0xFFFFFFF0;
	_ =	sdelay $0x2  }
0xb0: {  	_ =	swait.ge [sflag:s1], $0x10  }
0xb1: {  	[sflag:s1] =	ssyncset.done $0x0  }
0xb2: {  	[sflag:s1] =	ssyncadd.s32 $0xFFFFFFF0;
	_ =	sdelay $0x2  }
0xb3: {  	_ =	swait.ge [sflag:s1], $0x10  }
0xb4: {  	[sflag:s1] =	ssyncset.done $0x0  }
0xb5: {  	[sflag:s1] =	ssyncadd.s32 $0xFFFFFFF0;
	_ =	sdelay $0x2  }
0xb6: {  	_ =	swait.ge [sflag:s1], $0x10  }
0xb7: {  	[sflag:s1] =	ssyncset.done $0x0  }
0xb8: {  	[sflag:s1] =	ssyncadd.s32 $0xFFFFFFF0;
	_ =	sdelay $0x2  }
0xb9: {  	_ =	swait.ge [sflag:s1], $0x10  }
0xba: {  	[sflag:s1] =	ssyncset.done $0x0  }
0xbb: {  	[sflag:s1] =	ssyncadd.s32 $0xFFFFFFF0;
	_ =	sdelay $0x2  }
0xbc: {  	_ =	swait.ge [sflag:s1], $0x10  }
0xbd: {  	[sflag:s1] =	ssyncset.done $0x0  }
0xbe: {  	[sflag:s1] =	ssyncadd.s32 $0xFFFFFFF0;
	_ =	sdelay $0x2  }
0xbf: {  	_ =	swait.ge [sflag:s1], $0x10  }
0xc0: {  	[sflag:s1] =	ssyncset.done $0x0  }
0xc1: {  	[sflag:s1] =	ssyncadd.s32 $0xFFFFFFF0;
	_ =	sdelay $0x2  }
0xc2: {  	_ =	swait.ge [sflag:s1], $0x10  }
0xc3: {  	[sflag:s1] =	ssyncset.done $0x0  }
0xc4: {  	[sflag:s1] =	ssyncadd.s32 $0xFFFFFFF0;
	_ =	sdelay $0x2  }
0xc5: {  	_ =	swait.ge [sflag:s1], $0x10  }
0xc6: {  	[sflag:s1] =	ssyncset.done $0x0  }
0xc7: {  	[sflag:s1] =	ssyncadd.s32 $0xFFFFFFF0;
	_ =	sdelay $0x2  }
0xc8: {  	_ =	swait.ge [sflag:s1], $0x10  }
0xc9: {  	[sflag:s1] =	ssyncset.done $0x0  }
0xca: {  	[sflag:s1] =	ssyncadd.s32 $0xFFFFFFF0;
	_ =	sdelay $0x2  }
0xcb: {  	_ =	swait.ge [sflag:s1], $0x10  }
0xcc: {  	[sflag:s1] =	ssyncset.done $0x0  }
0xcd: {  	[sflag:s1] =	ssyncadd.s32 $0xFFFFFFF0;
	_ =	sdelay $0x2  }
0xce: {  	_ =	swait.ge [sflag:s1], $0x10  }
0xcf: {  	[sflag:s1] =	ssyncset.done $0x0  }
0xd0: {  	[sflag:s1] =	ssyncadd.s32 $0xFFFFFFF0  }
0xd1: {  	s12 =	sld [smem:$0xC10]  }
0xd2: {  	s13 =	sld [smem:$0xC90]  }
0xd3: {  	s14 =	sld [smem:$0xD10]  }
0xd4: {  	s15 =	sld [smem:$0xD90]  }
0xd5: {  	s11 =	sld [smem:$0xE10]  }
0xd6: {  	s10 =	sld [smem:$0xE90]  }
0xd7: {  	s7 =	sld [smem:$0xF10]  }
0xd8: {  	s6 =	sld [smem:$0xF90]  }
0xd9: {  	s5 =	sld [smem:$0x1010]  }
0xda: {  	s4 =	sld [smem:$0x1090]  }
0xdb: {  	s31 =	simm.s32 $0x810;
	s3 =	sld [smem:$0x1110]  }
0xdc: {  	s16 =	simm.s32 $0x9;
	s17 =	simm.s32 $0x10;
	s2 =	sld [smem:$0x1190]  }
0xdd: {  	[smem:s17], [sflag:s16] =	dma.local [hbm:s9], $0x100  }
0xde: {  	[smem:s31], [sflag:s16] =	dma.local [hbm:s8], $0x40  }
0xdf: {  	_ =	swait.ge [sflag:s16], $0x100  }
0xe0: {  	[sflag:s16] =	ssyncset.done $0x0  }
0xe1: {  	[sflag:s16] =	ssyncadd.s32 $0xFFFFFF00;
	_ =	sdelay $0x2  }
0xe2: {  	_ =	swait.ge [sflag:s16], $0x40  }
0xe3: {  	s17 =	sshll.u32 s12, $0x7;
	[sflag:s16] =	ssyncset.done $0x0  }
0xe4: {  	s8 =	sand.u32 $0x3FFFFF80, s17;
	[sflag:s16] =	ssyncadd.s32 $0xFFFFFFC0  }
0xe5: {  	s19 =	sshll.u32 s13, $0x7;
	s18 =	sld [smem:s8+$0x10]  }
0xe6: {  	s12 =	sand.u32 $0x3FFFFF80, s19  }
0xe7: {  	s20 =	sld [smem:s12+$0x10];
	_ =	sdelay $0x1  }
0xe8: {  	s16 =	sld [smem:$0x810];
	s9 =	smul.f32 $2.500000000e-01, s18  }
0xe9: {  	_ = 	snop  }
0xea: {  	s9 =	smul.f32 s20, s9;
	_ =	sdelay $0x1  }
0xeb: {  	s9 =	smul.f32 s16, s9;
	_ =	sdelay $0x1  }
0xec: {  	[smem:$0xA10] =	sst s9  }
0xed: {  	s9 =	sld [smem:s8+$0x210];
	_ =	sdelay $0x1  }
0xee: {  	s21 =	sld [smem:s12+$0x210];
	_ =	sdelay $0x1  }
0xef: {  	s22 =	sld [smem:$0x890];
	s9 =	smul.f32 $2.500000000e-01, s9  }
0xf0: {  	_ = 	snop  }
0xf1: {  	s9 =	smul.f32 s21, s9;
	_ =	sdelay $0x1  }
0xf2: {  	s9 =	smul.f32 s22, s9;
	_ =	sdelay $0x1  }
0xf3: {  	[smem:$0xA90] =	sst s9  }
0xf4: {  	s9 =	sld [smem:s8+$0x410];
	_ =	sdelay $0x1  }
0xf5: {  	s23 =	sld [smem:s12+$0x410];
	_ =	sdelay $0x1  }
0xf6: {  	s24 =	sld [smem:$0x910];
	s9 =	smul.f32 $2.500000000e-01, s9  }
0xf7: {  	_ = 	snop  }
0xf8: {  	s9 =	smul.f32 s23, s9;
	_ =	sdelay $0x1  }
0xf9: {  	s9 =	smul.f32 s24, s9;
	_ =	sdelay $0x1  }
0xfa: {  	[smem:$0xB10] =	sst s9  }
0xfb: {  	s8 =	sld [smem:s8+$0x610];
	_ =	sdelay $0x1  }
0xfc: {  	s9 =	sld [smem:s12+$0x610];
	_ =	sdelay $0x1  }
0xfd: {  	s25 =	sld [smem:$0x990];
	s8 =	smul.f32 $2.500000000e-01, s8  }
0xfe: {  	_ = 	snop  }
0xff: {  	s8 =	smul.f32 s9, s8;
	_ =	sdelay $0x1  }
0x100: {  	s8 =	smul.f32 s25, s8  }
0x101: {  	s26 =	sshll.u32 s14, $0x7  }
0x102: {  	s28 =	sand.u32 $0x3FFFFF80, s26;
	[smem:$0xB90] =	sst s8  }
0x103: {  	s29 =	sshll.u32 s15, $0x7;
	s9 =	sld [smem:s28+$0x11]  }
0x104: {  	s12 =	sand.u32 $0x3FFFFF80, s29  }
0x105: {  	s30 =	sld [smem:s12+$0x11];
	_ =	sdelay $0x1  }
0x106: {  	s31 =	sld [smem:$0x811];
	s9 =	smul.f32 $2.500000000e-01, s9  }
0x107: {  	_ = 	snop  }
0x108: {  	s9 =	smul.f32 s30, s9;
	_ =	sdelay $0x1  }
0x109: {  	s9 =	smul.f32 s31, s9;
	_ =	sdelay $0x1  }
0x10a: {  	[smem:$0xA11] =	sst s9  }
0x10b: {  	s9 =	sld [smem:s28+$0x211];
	_ =	sdelay $0x1  }
0x10c: {  	s15 =	sld [smem:s12+$0x211];
	_ =	sdelay $0x1  }
0x10d: {  	s16 =	sld [smem:$0x891];
	s9 =	smul.f32 $2.500000000e-01, s9  }
0x10e: {  	_ = 	snop  }
0x10f: {  	s9 =	smul.f32 s15, s9;
	_ =	sdelay $0x1  }
0x110: {  	s9 =	smul.f32 s16, s9;
	_ =	sdelay $0x1  }
0x111: {  	[smem:$0xA91] =	sst s9  }
0x112: {  	s9 =	sld [smem:s28+$0x411];
	_ =	sdelay $0x1  }
0x113: {  	s17 =	sld [smem:s12+$0x411];
	_ =	sdelay $0x1  }
0x114: {  	s18 =	sld [smem:$0x911];
	s9 =	smul.f32 $2.500000000e-01, s9  }
0x115: {  	_ = 	snop  }
0x116: {  	s9 =	smul.f32 s17, s9;
	_ =	sdelay $0x1  }
0x117: {  	s9 =	smul.f32 s18, s9;
	_ =	sdelay $0x1  }
0x118: {  	[smem:$0xB11] =	sst s9  }
0x119: {  	s8 =	sld [smem:s28+$0x611];
	_ =	sdelay $0x1  }
0x11a: {  	s9 =	sld [smem:s12+$0x611];
	_ =	sdelay $0x1  }
0x11b: {  	s19 =	sld [smem:$0x991];
	s8 =	smul.f32 $2.500000000e-01, s8  }
0x11c: {  	_ = 	snop  }
0x11d: {  	s8 =	smul.f32 s9, s8;
	_ =	sdelay $0x1  }
0x11e: {  	s8 =	smul.f32 s19, s8  }
0x11f: {  	s20 =	sshll.u32 s11, $0x7  }
0x120: {  	s21 =	sand.u32 $0x3FFFFF80, s20;
	[smem:$0xB91] =	sst s8  }
0x121: {  	s10 =	sshll.u32 s10, $0x7;
	s9 =	sld [smem:s21+$0x12]  }
0x122: {  	s10 =	sand.u32 $0x3FFFFF80, s10  }
0x123: {  	s22 =	sld [smem:s10+$0x12];
	_ =	sdelay $0x1  }
0x124: {  	s23 =	sld [smem:$0x812];
	s9 =	smul.f32 $2.500000000e-01, s9  }
0x125: {  	_ = 	snop  }
0x126: {  	s9 =	smul.f32 s22, s9;
	_ =	sdelay $0x1  }
0x127: {  	s9 =	smul.f32 s23, s9;
	_ =	sdelay $0x1  }
0x128: {  	[smem:$0xA12] =	sst s9  }
0x129: {  	s9 =	sld [smem:s21+$0x212];
	_ =	sdelay $0x1  }
0x12a: {  	s24 =	sld [smem:s10+$0x212];
	_ =	sdelay $0x1  }
0x12b: {  	s25 =	sld [smem:$0x892];
	s9 =	smul.f32 $2.500000000e-01, s9  }
0x12c: {  	_ = 	snop  }
0x12d: {  	s9 =	smul.f32 s24, s9;
	_ =	sdelay $0x1  }
0x12e: {  	s9 =	smul.f32 s25, s9;
	_ =	sdelay $0x1  }
0x12f: {  	[smem:$0xA92] =	sst s9  }
0x130: {  	s9 =	sld [smem:s21+$0x412];
	_ =	sdelay $0x1  }
0x131: {  	s26 =	sld [smem:s10+$0x412];
	_ =	sdelay $0x1  }
0x132: {  	s28 =	sld [smem:$0x912];
	s9 =	smul.f32 $2.500000000e-01, s9  }
0x133: {  	_ = 	snop  }
0x134: {  	s9 =	smul.f32 s26, s9;
	_ =	sdelay $0x1  }
0x135: {  	s9 =	smul.f32 s28, s9;
	_ =	sdelay $0x1  }
0x136: {  	[smem:$0xB12] =	sst s9  }
0x137: {  	s8 =	sld [smem:s21+$0x612];
	_ =	sdelay $0x1  }
0x138: {  	s9 =	sld [smem:s10+$0x612];
	_ =	sdelay $0x1  }
0x139: {  	s29 =	sld [smem:$0x992];
	s8 =	smul.f32 $2.500000000e-01, s8  }
0x13a: {  	_ = 	snop  }
0x13b: {  	s8 =	smul.f32 s9, s8;
	_ =	sdelay $0x1  }
0x13c: {  	s8 =	smul.f32 s29, s8  }
0x13d: {  	s7 =	sshll.u32 s7, $0x7  }
0x13e: {  	s7 =	sand.u32 $0x3FFFFF80, s7;
	[smem:$0xB92] =	sst s8  }
0x13f: {  	s6 =	sshll.u32 s6, $0x7;
	s8 =	sld [smem:s7+$0x13]  }
0x140: {  	s6 =	sand.u32 $0x3FFFFF80, s6  }
0x141: {  	s30 =	sld [smem:s6+$0x13];
	_ =	sdelay $0x1  }
0x142: {  	s31 =	sld [smem:$0x813];
	s8 =	smul.f32 $2.500000000e-01, s8  }
0x143: {  	_ = 	snop  }
0x144: {  	s8 =	smul.f32 s30, s8;
	_ =	sdelay $0x1  }
0x145: {  	s8 =	smul.f32 s31, s8;
	_ =	sdelay $0x1  }
0x146: {  	[smem:$0xA13] =	sst s8  }
0x147: {  	s8 =	sld [smem:s7+$0x213];
	_ =	sdelay $0x1  }
0x148: {  	s10 =	sld [smem:s6+$0x213];
	_ =	sdelay $0x1  }
0x149: {  	s11 =	sld [smem:$0x893];
	s8 =	smul.f32 $2.500000000e-01, s8  }
0x14a: {  	_ = 	snop  }
0x14b: {  	s8 =	smul.f32 s10, s8;
	_ =	sdelay $0x1  }
0x14c: {  	s8 =	smul.f32 s11, s8;
	_ =	sdelay $0x1  }
0x14d: {  	[smem:$0xA93] =	sst s8  }
0x14e: {  	s8 =	sld [smem:s7+$0x413];
	_ =	sdelay $0x1  }
0x14f: {  	s12 =	sld [smem:s6+$0x413];
	_ =	sdelay $0x1  }
0x150: {  	s13 =	sld [smem:$0x913];
	s8 =	smul.f32 $2.500000000e-01, s8  }
0x151: {  	_ = 	snop  }
0x152: {  	s8 =	smul.f32 s12, s8;
	_ =	sdelay $0x1  }
0x153: {  	s8 =	smul.f32 s13, s8;
	_ =	sdelay $0x1  }
0x154: {  	[smem:$0xB13] =	sst s8  }
0x155: {  	s7 =	sld [smem:s7+$0x613];
	_ =	sdelay $0x1  }
0x156: {  	s6 =	sld [smem:s6+$0x613];
	_ =	sdelay $0x1  }
0x157: {  	s8 =	sld [smem:$0x993];
	s7 =	smul.f32 $2.500000000e-01, s7  }
0x158: {  	_ = 	snop  }
0x159: {  	s6 =	smul.f32 s6, s7;
	_ =	sdelay $0x1  }
0x15a: {  	s6 =	smul.f32 s8, s6  }
0x15b: {  	s5 =	sshll.u32 s5, $0x7  }
0x15c: {  	s5 =	sand.u32 $0x3FFFFF80, s5;
	[smem:$0xB93] =	sst s6  }
0x15d: {  	s4 =	sshll.u32 s4, $0x7;
	s6 =	sld [smem:s5+$0x14]  }
0x15e: {  	s4 =	sand.u32 $0x3FFFFF80, s4  }
0x15f: {  	s14 =	sld [smem:s4+$0x14];
	_ =	sdelay $0x1  }
0x160: {  	s15 =	sld [smem:$0x814];
	s6 =	smul.f32 $2.500000000e-01, s6  }
0x161: {  	_ = 	snop  }
0x162: {  	s6 =	smul.f32 s14, s6;
	_ =	sdelay $0x1  }
0x163: {  	s6 =	smul.f32 s15, s6;
	_ =	sdelay $0x1  }
0x164: {  	[smem:$0xA14] =	sst s6  }
0x165: {  	s6 =	sld [smem:s5+$0x214];
	_ =	sdelay $0x1  }
0x166: {  	s16 =	sld [smem:s4+$0x214];
	_ =	sdelay $0x1  }
0x167: {  	s17 =	sld [smem:$0x894];
	s6 =	smul.f32 $2.500000000e-01, s6  }
0x168: {  	_ = 	snop  }
0x169: {  	s6 =	smul.f32 s16, s6;
	_ =	sdelay $0x1  }
0x16a: {  	s6 =	smul.f32 s17, s6;
	_ =	sdelay $0x1  }
0x16b: {  	[smem:$0xA94] =	sst s6  }
0x16c: {  	s6 =	sld [smem:s5+$0x414];
	_ =	sdelay $0x1  }
0x16d: {  	s18 =	sld [smem:s4+$0x414];
	_ =	sdelay $0x1  }
0x16e: {  	s19 =	sld [smem:$0x914];
	s6 =	smul.f32 $2.500000000e-01, s6  }
0x16f: {  	_ = 	snop  }
0x170: {  	s6 =	smul.f32 s18, s6;
	_ =	sdelay $0x1  }
0x171: {  	s6 =	smul.f32 s19, s6;
	_ =	sdelay $0x1  }
0x172: {  	[smem:$0xB14] =	sst s6  }
0x173: {  	s5 =	sld [smem:s5+$0x614];
	_ =	sdelay $0x1  }
0x174: {  	s4 =	sld [smem:s4+$0x614];
	_ =	sdelay $0x1  }
0x175: {  	s6 =	sld [smem:$0x994];
	s5 =	smul.f32 $2.500000000e-01, s5  }
0x176: {  	_ = 	snop  }
0x177: {  	s4 =	smul.f32 s4, s5;
	_ =	sdelay $0x1  }
0x178: {  	s4 =	smul.f32 s6, s4  }
0x179: {  	s3 =	sshll.u32 s3, $0x7  }
0x17a: {  	s3 =	sand.u32 $0x3FFFFF80, s3;
	[smem:$0xB94] =	sst s4  }
0x17b: {  	s2 =	sshll.u32 s2, $0x7;
	s4 =	sld [smem:s3+$0x15]  }
0x17c: {  	s2 =	sand.u32 $0x3FFFFF80, s2  }
0x17d: {  	s20 =	sld [smem:s2+$0x15];
	_ =	sdelay $0x1  }
0x17e: {  	s21 =	sld [smem:$0x815];
	s4 =	smul.f32 $2.500000000e-01, s4  }
0x17f: {  	_ = 	snop  }
0x180: {  	s4 =	smul.f32 s20, s4;
	_ =	sdelay $0x1  }
0x181: {  	s4 =	smul.f32 s21, s4;
	_ =	sdelay $0x1  }
0x182: {  	[smem:$0xA15] =	sst s4  }
0x183: {  	s4 =	sld [smem:s3+$0x215];
	_ =	sdelay $0x1  }
0x184: {  	s22 =	sld [smem:s2+$0x215];
	_ =	sdelay $0x1  }
0x185: {  	s23 =	sld [smem:$0x895];
	s4 =	smul.f32 $2.500000000e-01, s4  }
0x186: {  	_ = 	snop  }
0x187: {  	s4 =	smul.f32 s22, s4;
	_ =	sdelay $0x1  }
0x188: {  	s4 =	smul.f32 s23, s4;
	_ =	sdelay $0x1  }
0x189: {  	[smem:$0xA95] =	sst s4  }
0x18a: {  	s4 =	sld [smem:s3+$0x415];
	_ =	sdelay $0x1  }
0x18b: {  	s24 =	sld [smem:s2+$0x415];
	_ =	sdelay $0x1  }
0x18c: {  	s25 =	sld [smem:$0x915];
	s4 =	smul.f32 $2.500000000e-01, s4  }
0x18d: {  	_ = 	snop  }
0x18e: {  	s4 =	smul.f32 s24, s4;
	_ =	sdelay $0x1  }
0x18f: {  	s4 =	smul.f32 s25, s4;
	_ =	sdelay $0x1  }
0x190: {  	[smem:$0xB15] =	sst s4  }
0x191: {  	s3 =	sld [smem:s3+$0x615];
	_ =	sdelay $0x1  }
0x192: {  	s2 =	sld [smem:s2+$0x615];
	_ =	sdelay $0x1  }
0x193: {  	s4 =	sld [smem:$0x995];
	s3 =	smul.f32 $2.500000000e-01, s3  }
0x194: {  	_ = 	snop  }
0x195: {  	s2 =	smul.f32 s2, s3;
	_ =	sdelay $0x1  }
0x196: {  	s2 =	smul.f32 s4, s2;
	_ =	sdelay $0x1  }
0x197: {  	s26 =	simm.s32 $0xA10;
	[smem:$0xB95] =	sst s2  }
0x198: {  	[hbm:s0], [sflag:s1] =	dma.local [smem:s26], $0x40  }
0x199: {  	_ =	swait.ge [sflag:s1], $0x40  }
0x19a: {  	[sflag:s1] =	ssyncset.done $0x0  }
0x19b: {  	[sflag:s1] =	ssyncadd.s32 $0xFFFFFFC0  }
0x19c: {  	_ =	strace $0x90000046  }
0x19d: {  	_ =	sfence  }
0x19e: {  	s28 =	sld [smem:$0x0];
	_ =	sdelay $0x1  }
0x19f: {  	s29 =	srdreg.scid  }
0x1a0: {  	s30 =	sshll.u32 s29, $0xD;
	s31 =	sshrl.u32 s29, $0x2  }
0x1a1: {  	s2 =	sand.u32 $0x4000, s30;
	s1 =	sand.u32 $0x1, s29;
	s0 =	sadd.s32 s31, s28  }
0x1a2: {  	s1 =	sor.u32 s2, s1;
	s0 =	sshll.u32 s0, $0x11  }
0x1a3: {  	s0 =	sor.u32 s0, s1  }
0x1a4: {  	s0 =	sadd.s32 $0x8F2B, s0;
	(pc) =	sbr.abs _section_cstart, $3  }
0x1a5: {  	[sflag:s0] =	ssyncadd.remote.s32 $0x1  }
0x1a6: {  	_ =	strace $0x9FFFFFFF  }
0x1a7: {  	(tm) =	ssettm $0x7FFFFFFF  }

</sc_bundles>
